<compile_context>
chip_gen: v7x
topology: tpu7x:2x2x1
jax: 0.10.2.dev20260603
libtpu: 0.0.44.dev20260713+nightly
codegen_flags: <defaults>
</compile_context>

<pallas_src>
import functools

import jax
import jax.numpy as jnp
from jax import lax
from jax.experimental import pallas as pl
from jax.experimental.pallas import tpu as pltpu
from jax.experimental.pallas import tpu_sc as plsc

_NC, _NS = 2, 16
_NW = _NC * _NS
_B, _NEG, _D = 1024, 200, 128
_NT = _NEG + 1
_CH = 128
_NSUB = _NT * _B // _CH
_SPW = _NSUB // _NW
_XTRA = _NSUB - _SPW * _NW
_SPAD = _SPW + 1
_BPC = _B // _CH
_HPW = _B // _NW


def _sc_gather(entity, relation, head_idx, rel_idx, tail_idx):
    mesh = plsc.VectorSubcoreMesh(core_axis_name="c", subcore_axis_name="s")

    @functools.partial(
        pl.kernel,
        mesh=mesh,
        out_type=[
            jax.ShapeDtypeStruct((_B, _D), jnp.float32),
            jax.ShapeDtypeStruct((_B, _D), jnp.float32),
            jax.ShapeDtypeStruct((_NT, _B, _D), jnp.float32),
        ],
        scratch_types=[
            pltpu.VMEM((_HPW,), jnp.int32),
            pltpu.VMEM((_HPW,), jnp.int32),
            pltpu.VMEM((_HPW, _D), jnp.float32),
            pltpu.VMEM((_HPW, _D), jnp.float32),
            pltpu.VMEM((_SPAD * _CH,), jnp.int32),
        ] + [pltpu.VMEM((_CH, _D), jnp.float32) for _ in range(6)]
          + [pltpu.SemaphoreType.DMA for _ in range(15)],
    )
    def k(ent_hbm, rel_hbm, hidx_hbm, ridx_hbm, tidx_hbm,
          head_out, rel_out, tail_out,
          sidx_v, sidx2_v, srow_v, srow2_v, tidx_v, *rest):
        bufs = rest[:6]
        sems = rest[6:12]
        ssem = rest[12:18]
        isem, hsem, rsem = rest[18:]
        wid = lax.axis_index("s") * _NC + lax.axis_index("c")

        start = _SPW * wid + jnp.minimum(wid, _XTRA)
        pltpu.async_copy(
            tidx_hbm.at[pl.ds(start * _CH, _SPAD * _CH)], tidx_v, isem)

        hbase = wid * _HPW
        pltpu.sync_copy(hidx_hbm.at[pl.ds(hbase, _HPW)], sidx_v)
        pltpu.async_copy(ent_hbm.at[sidx_v], srow_v, hsem)
        pltpu.sync_copy(ridx_hbm.at[pl.ds(hbase, _HPW)], sidx2_v)
        pltpu.async_copy(rel_hbm.at[sidx2_v], srow2_v, rsem)

        pltpu.make_async_copy(
            tidx_hbm.at[pl.ds(0, _SPAD * _CH)], tidx_v, isem).wait()

        def gather_start(j, b):
            pltpu.async_copy(
                ent_hbm.at[tidx_v.at[pl.ds(j * _CH, _CH)]], bufs[b], sems[b])

        def gather_wait(b):
            pltpu.make_async_copy(
                ent_hbm.at[tidx_v.at[pl.ds(0, _CH)]], bufs[b], sems[b]).wait()

        def out_slice(j):
            t = start + j
            n = t // _BPC
            off = (t % _BPC) * _CH
            return tail_out.at[n, pl.ds(off, _CH)]

        def store_start(j, b):
            pltpu.async_copy(bufs[b], out_slice(j), ssem[b])

        def store_wait(b):
            pltpu.make_async_copy(bufs[b], out_slice(0), ssem[b]).wait()

        for j in range(3):
            gather_start(j, j)
        for j in range(3):
            gather_wait(j)
            store_start(j, j)
            gather_start(j + 3, j + 3)

        def body(i, carry):
            for u in range(6):
                j = 6 * i + 3 + u
                b = (3 + u) % 6
                gather_wait(b)
                store_start(j, b)
                store_wait((u + 6) % 6)
                gather_start(j + 3, (u + 6) % 6)
            return carry

        lax.fori_loop(0, (_SPW - 8) // 6, body, 0)

        for u in range(2):
            j = _SPW - 5 + u
            b = j % 6
            gather_wait(b)
            store_start(j, b)
            store_wait((j + 3) % 6)
            gather_start(j + 3, (j + 3) % 6)
        for u in range(3):
            j = _SPW - 3 + u
            b = j % 6
            gather_wait(b)
            store_start(j, b)
        for u in range(6):
            store_wait((_SPW - 6 + u) % 6)

        @pl.when(wid < _XTRA)
        def _():
            gather_start(_SPW, 0)
            gather_wait(0)
            pltpu.sync_copy(bufs[0], out_slice(_SPW))

        pltpu.make_async_copy(ent_hbm.at[sidx_v], srow_v, hsem).wait()
        pltpu.sync_copy(srow_v, head_out.at[pl.ds(hbase, _HPW)])
        pltpu.make_async_copy(rel_hbm.at[sidx2_v], srow2_v, rsem).wait()
        pltpu.sync_copy(srow2_v, rel_out.at[pl.ds(hbase, _HPW)])

    return k(entity, relation, head_idx, rel_idx, tail_idx)


def kernel(positive, negative, entity_embedding, relation_embedding):
    positive = positive.astype(jnp.int32)
    negative = negative.astype(jnp.int32)
    head_idx = positive[:, 0]
    rel_idx = positive[:, 1]
    tail_idx = jnp.concatenate([positive[:, 2:3], negative], axis=1)
    tail_idx = jnp.pad(tail_idx.T.reshape(-1), (0, _SPAD * _CH))
    head, rel, tail = _sc_gather(
        entity_embedding, relation_embedding, head_idx, rel_idx, tail_idx)
    return (head[:, None, :], rel[:, None, :], tail.transpose(1, 0, 2))

# --- scband reference (transcript-rebuilt; emitter-appended) ---
"""Pipeline reference for scband-naive-manager2-31164282700477 (READ-ONLY COPY).

The authoritative reference and input builder live on the scoring server;
editing this copy changes nothing except your own understanding.
"""

import jax, jax.numpy as jnp
import numpy as np

NENTITY = 100000
NRELATION = 1000
DIM = 128
BATCH = 1024
NEG = 200

def setup_inputs(seed: int = 0) -> dict:
    key = jax.random.key(seed)
    k1, k2, k3, k4 = jax.random.split(key, 4)
    positive = jax.random.randint(k1, (BATCH, 3), 0, 1000, dtype=jnp.int64 if jax.config.jax_enable_x64 else jnp.int32)
    negative = jax.random.randint(k2, (BATCH, NEG), 0, NENTITY, dtype=jnp.int64 if jax.config.jax_enable_x64 else jnp.int32)
    entity_embedding = jax.random.normal(k3, (NENTITY, DIM), dtype=jnp.float32)
    # xavier_uniform for relation embedding
    limit = float(np.sqrt(6.0 / (NRELATION + DIM)))
    relation_embedding = jax.random.uniform(k4, (NRELATION, DIM), minval=-limit, maxval=limit, dtype=jnp.float32)
    return {"positive": positive, "negative": negative, "entity_embedding": entity_embedding, "relation_embedding": relation_embedding}

def reference(positive, negative, entity_embedding, relation_embedding):
    # mode = 'tail-batch'
    batch_size, negative_sample_size = negative.shape
    neg_tail = jnp.take(entity_embedding, negative.reshape(-1), axis=0).reshape(batch_size, negative_sample_size, -1)
    pos_tail = jnp.take(entity_embedding, positive[:, 2], axis=0)[:, None, :]
    tail = jnp.concatenate((pos_tail, neg_tail), axis=1)
    head = jnp.take(entity_embedding, positive[:, 0], axis=0)[:, None, :]
    relation = jnp.take(relation_embedding, positive[:, 1], axis=0)[:, None, :]
    return (head, relation, tail)

if __name__ == "__main__":
    import jax
    _d = setup_inputs()
    print(jax.jit(kernel)(*tuple(_d.values())))

</pallas_src>

<mosaic_0001>
#map = affine_map<(d0, d1) -> (0, 0)>
#map1 = affine_map<(d0, d1) -> (0)>
#map2 = affine_map<(d0, d1) -> (0, 0, 0)>
module attributes {stable_mosaic.version = 14 : i64} {
  func.func @k(%arg0: i32, %arg1: i32, %arg2: memref<100000x128xf32, #tpu.memory_space<hbm>>, %arg3: memref<1000x128xf32, #tpu.memory_space<hbm>>, %arg4: memref<1024xi32, #tpu.memory_space<hbm>>, %arg5: memref<1024xi32, #tpu.memory_space<hbm>>, %arg6: memref<212352xi32, #tpu.memory_space<hbm>>, %arg7: memref<1024x128xf32, #tpu.memory_space<hbm>>, %arg8: memref<1024x128xf32, #tpu.memory_space<hbm>>, %arg9: memref<201x1024x128xf32, #tpu.memory_space<hbm>>, %arg10: memref<32xi32, #tpu.memory_space<vmem>>, %arg11: memref<32xi32, #tpu.memory_space<vmem>>, %arg12: memref<32x128xf32, #tpu.memory_space<vmem>>, %arg13: memref<32x128xf32, #tpu.memory_space<vmem>>, %arg14: memref<6528xi32, #tpu.memory_space<vmem>>, %arg15: memref<128x128xf32, #tpu.memory_space<vmem>>, %arg16: memref<128x128xf32, #tpu.memory_space<vmem>>, %arg17: memref<128x128xf32, #tpu.memory_space<vmem>>, %arg18: memref<128x128xf32, #tpu.memory_space<vmem>>, %arg19: memref<128x128xf32, #tpu.memory_space<vmem>>, %arg20: memref<128x128xf32, #tpu.memory_space<vmem>>, %arg21: memref<!tpu.dma_semaphore, #tpu.memory_space<semaphore_mem>>, %arg22: memref<!tpu.dma_semaphore, #tpu.memory_space<semaphore_mem>>, %arg23: memref<!tpu.dma_semaphore, #tpu.memory_space<semaphore_mem>>, %arg24: memref<!tpu.dma_semaphore, #tpu.memory_space<semaphore_mem>>, %arg25: memref<!tpu.dma_semaphore, #tpu.memory_space<semaphore_mem>>, %arg26: memref<!tpu.dma_semaphore, #tpu.memory_space<semaphore_mem>>, %arg27: memref<!tpu.dma_semaphore, #tpu.memory_space<semaphore_mem>>, %arg28: memref<!tpu.dma_semaphore, #tpu.memory_space<semaphore_mem>>, %arg29: memref<!tpu.dma_semaphore, #tpu.memory_space<semaphore_mem>>, %arg30: memref<!tpu.dma_semaphore, #tpu.memory_space<semaphore_mem>>, %arg31: memref<!tpu.dma_semaphore, #tpu.memory_space<semaphore_mem>>, %arg32: memref<!tpu.dma_semaphore, #tpu.memory_space<semaphore_mem>>, %arg33: memref<!tpu.dma_semaphore, #tpu.memory_space<semaphore_mem>>, %arg34: memref<!tpu.dma_semaphore, #tpu.memory_space<semaphore_mem>>, %arg35: memref<!tpu.dma_semaphore, #tpu.memory_space<semaphore_mem>>) attributes {dimension_semantics = [#tpu.dimension_semantics<core_parallel>, #tpu.dimension_semantics<subcore_parallel>], iteration_bounds = array<i64: 2, 16>, scalar_prefetch = 0 : i64, scratch_operands = 26 : i64, tpu.core_type = #tpu.core_type<sc_vector_subcore>, window_params = [{transform_indices = #map}, {transform_indices = #map}, {transform_indices = #map1}, {transform_indices = #map1}, {transform_indices = #map1}, {transform_indices = #map}, {transform_indices = #map}, {transform_indices = #map2}]} {
    %mul3A = arith.constant 2 : i32
    %mul3A_0 = arith.muli %arg1, %mul3A : i32
    %add3A = arith.addi %mul3A_0, %arg0 : i32
    %mul3A_1 = arith.constant 50 : i32
    %mul3A_2 = arith.muli %mul3A_1, %add3A : i32
    %min3A = arith.constant 8 : i32
    %min3A_3 = arith.minsi %add3A, %min3A : i32
    %add3A_4 = arith.addi %mul3A_2, %min3A_3 : i32
    %mul3A_5 = arith.constant 128 : i32
    %mul3A_6 = arith.muli %add3A_4, %mul3A_5 : i32
    %dma_start3A = tpu.memref_slice %arg6[%mul3A_6] : memref<212352xi32, #tpu.memory_space<hbm>> -> memref<6528xi32, #tpu.memory_space<hbm>>
    %dma_start3A_7 = tpu.memref_slice %arg6[%mul3A_6] : memref<212352xi32, #tpu.memory_space<hbm>> -> memref<6528xi32, #tpu.memory_space<hbm>>
    tpu.enqueue_dma source(%dma_start3A_7 : memref<6528xi32, #tpu.memory_space<hbm>>) target(%arg14 : memref<6528xi32, #tpu.memory_space<vmem>>) target_semaphore(%arg33 : memref<!tpu.dma_semaphore, #tpu.memory_space<semaphore_mem>>)
    %mul3A_8 = arith.constant 32 : i32
    %mul3A_9 = arith.muli %add3A, %mul3A_8 : i32
    "tpu.region"() ({
      %run_scoped3A = tpu.sem_alloc : memref<!tpu.dma_semaphore, #tpu.memory_space<semaphore_mem>>
      %dma_start3A_903 = tpu.memref_slice %arg4[%mul3A_9] : memref<1024xi32, #tpu.memory_space<hbm>> -> memref<32xi32, #tpu.memory_space<hbm>>
      %dma_start3A_904 = tpu.memref_slice %arg4[%mul3A_9] : memref<1024xi32, #tpu.memory_space<hbm>> -> memref<32xi32, #tpu.memory_space<hbm>>
      tpu.enqueue_dma source(%dma_start3A_904 : memref<32xi32, #tpu.memory_space<hbm>>) target(%arg10 : memref<32xi32, #tpu.memory_space<vmem>>) target_semaphore(%run_scoped3A : memref<!tpu.dma_semaphore, #tpu.memory_space<semaphore_mem>>)
      %dma_wait3A_905 = tpu.memref_slice %arg4[%mul3A_9] : memref<1024xi32, #tpu.memory_space<hbm>> -> memref<32xi32, #tpu.memory_space<hbm>>
      %dma_wait3A_906 = tpu.memref_slice %arg4[%mul3A_9] : memref<1024xi32, #tpu.memory_space<hbm>> -> memref<32xi32, #tpu.memory_space<hbm>>
      tpu.wait_dma2 semaphore(%run_scoped3A : memref<!tpu.dma_semaphore, #tpu.memory_space<semaphore_mem>>) src(%dma_wait3A_906 : memref<32xi32, #tpu.memory_space<hbm>>) dst(%arg10 : memref<32xi32, #tpu.memory_space<vmem>>)
      tpu.yield
    }) : () -> ()
    %dma_start3A_10 = arith.constant 0 : i32
    %dma_start3A_11 = arith.constant 0 : i32
    %dma_start3A_12 = tpu.memref_slice %arg2[%dma_start3A_10, %dma_start3A_11] : memref<100000x128xf32, #tpu.memory_space<hbm>> -> memref<100000x128xf32, #tpu.memory_space<hbm>>
    tpu.enqueue_indirect_dma source(%dma_start3A_12 : memref<100000x128xf32, #tpu.memory_space<hbm>>) target(%arg12 : memref<32x128xf32, #tpu.memory_space<vmem>>) offsets(%arg10 : memref<32xi32, #tpu.memory_space<vmem>>) semaphore(%arg34 : memref<!tpu.dma_semaphore, #tpu.memory_space<semaphore_mem>>)
    "tpu.region"() ({
      %run_scoped3A = tpu.sem_alloc : memref<!tpu.dma_semaphore, #tpu.memory_space<semaphore_mem>>
      %dma_start3A_903 = tpu.memref_slice %arg5[%mul3A_9] : memref<1024xi32, #tpu.memory_space<hbm>> -> memref<32xi32, #tpu.memory_space<hbm>>
      %dma_start3A_904 = tpu.memref_slice %arg5[%mul3A_9] : memref<1024xi32, #tpu.memory_space<hbm>> -> memref<32xi32, #tpu.memory_space<hbm>>
      tpu.enqueue_dma source(%dma_start3A_904 : memref<32xi32, #tpu.memory_space<hbm>>) target(%arg11 : memref<32xi32, #tpu.memory_space<vmem>>) target_semaphore(%run_scoped3A : memref<!tpu.dma_semaphore, #tpu.memory_space<semaphore_mem>>)
      %dma_wait3A_905 = tpu.memref_slice %arg5[%mul3A_9] : memref<1024xi32, #tpu.memory_space<hbm>> -> memref<32xi32, #tpu.memory_space<hbm>>
      %dma_wait3A_906 = tpu.memref_slice %arg5[%mul3A_9] : memref<1024xi32, #tpu.memory_space<hbm>> -> memref<32xi32, #tpu.memory_space<hbm>>
      tpu.wait_dma2 semaphore(%run_scoped3A : memref<!tpu.dma_semaphore, #tpu.memory_space<semaphore_mem>>) src(%dma_wait3A_906 : memref<32xi32, #tpu.memory_space<hbm>>) dst(%arg11 : memref<32xi32, #tpu.memory_space<vmem>>)
      tpu.yield
    }) : () -> ()
    %dma_start3A_13 = arith.constant 0 : i32
    %dma_start3A_14 = arith.constant 0 : i32
    %dma_start3A_15 = tpu.memref_slice %arg3[%dma_start3A_13, %dma_start3A_14] : memref<1000x128xf32, #tpu.memory_space<hbm>> -> memref<1000x128xf32, #tpu.memory_space<hbm>>
    tpu.enqueue_indirect_dma source(%dma_start3A_15 : memref<1000x128xf32, #tpu.memory_space<hbm>>) target(%arg13 : memref<32x128xf32, #tpu.memory_space<vmem>>) offsets(%arg11 : memref<32xi32, #tpu.memory_space<vmem>>) semaphore(%arg35 : memref<!tpu.dma_semaphore, #tpu.memory_space<semaphore_mem>>)
    %dma_wait3A = arith.constant 0 : i32
    %dma_wait3A_16 = tpu.memref_slice %arg6[%dma_wait3A] : memref<212352xi32, #tpu.memory_space<hbm>> -> memref<6528xi32, #tpu.memory_space<hbm>>
    %dma_wait3A_17 = arith.constant 0 : i32
    %dma_wait3A_18 = tpu.memref_slice %arg6[%dma_wait3A_17] : memref<212352xi32, #tpu.memory_space<hbm>> -> memref<6528xi32, #tpu.memory_space<hbm>>
    tpu.wait_dma2 semaphore(%arg33 : memref<!tpu.dma_semaphore, #tpu.memory_space<semaphore_mem>>) src(%dma_wait3A_18 : memref<6528xi32, #tpu.memory_space<hbm>>) dst(%arg14 : memref<6528xi32, #tpu.memory_space<vmem>>)
    %dma_start3A_19 = arith.constant 0 : i32
    %dma_start3A_20 = tpu.memref_slice %arg14[%dma_start3A_19] : memref<6528xi32, #tpu.memory_space<vmem>> -> memref<128xi32, #tpu.memory_space<vmem>>
    %dma_start3A_21 = arith.constant 0 : i32
    %dma_start3A_22 = arith.constant 0 : i32
    %dma_start3A_23 = tpu.memref_slice %arg2[%dma_start3A_21, %dma_start3A_22] : memref<100000x128xf32, #tpu.memory_space<hbm>> -> memref<100000x128xf32, #tpu.memory_space<hbm>>
    tpu.enqueue_indirect_dma source(%dma_start3A_23 : memref<100000x128xf32, #tpu.memory_space<hbm>>) target(%arg15 : memref<128x128xf32, #tpu.memory_space<vmem>>) offsets(%dma_start3A_20 : memref<128xi32, #tpu.memory_space<vmem>>) semaphore(%arg21 : memref<!tpu.dma_semaphore, #tpu.memory_space<semaphore_mem>>)
    %dma_start3A_24 = arith.constant 128 : i32
    %dma_start3A_25 = tpu.memref_slice %arg14[%dma_start3A_24] : memref<6528xi32, #tpu.memory_space<vmem>> -> memref<128xi32, #tpu.memory_space<vmem>>
    %dma_start3A_26 = arith.constant 0 : i32
    %dma_start3A_27 = arith.constant 0 : i32
    %dma_start3A_28 = tpu.memref_slice %arg2[%dma_start3A_26, %dma_start3A_27] : memref<100000x128xf32, #tpu.memory_space<hbm>> -> memref<100000x128xf32, #tpu.memory_space<hbm>>
    tpu.enqueue_indirect_dma source(%dma_start3A_28 : memref<100000x128xf32, #tpu.memory_space<hbm>>) target(%arg16 : memref<128x128xf32, #tpu.memory_space<vmem>>) offsets(%dma_start3A_25 : memref<128xi32, #tpu.memory_space<vmem>>) semaphore(%arg22 : memref<!tpu.dma_semaphore, #tpu.memory_space<semaphore_mem>>)
    %dma_start3A_29 = arith.constant 256 : i32
    %dma_start3A_30 = tpu.memref_slice %arg14[%dma_start3A_29] : memref<6528xi32, #tpu.memory_space<vmem>> -> memref<128xi32, #tpu.memory_space<vmem>>
    %dma_start3A_31 = arith.constant 0 : i32
    %dma_start3A_32 = arith.constant 0 : i32
    %dma_start3A_33 = tpu.memref_slice %arg2[%dma_start3A_31, %dma_start3A_32] : memref<100000x128xf32, #tpu.memory_space<hbm>> -> memref<100000x128xf32, #tpu.memory_space<hbm>>
    tpu.enqueue_indirect_dma source(%dma_start3A_33 : memref<100000x128xf32, #tpu.memory_space<hbm>>) target(%arg17 : memref<128x128xf32, #tpu.memory_space<vmem>>) offsets(%dma_start3A_30 : memref<128xi32, #tpu.memory_space<vmem>>) semaphore(%arg23 : memref<!tpu.dma_semaphore, #tpu.memory_space<semaphore_mem>>)
    %dma_wait3A_34 = arith.constant 0 : i32
    %dma_wait3A_35 = tpu.memref_slice %arg14[%dma_wait3A_34] : memref<6528xi32, #tpu.memory_space<vmem>> -> memref<128xi32, #tpu.memory_space<vmem>>
    %dma_wait3A_36 = arith.constant 0 : i32
    %dma_wait3A_37 = arith.constant 0 : i32
    %dma_wait3A_38 = tpu.memref_slice %arg2[%dma_wait3A_36, %dma_wait3A_37] : memref<100000x128xf32, #tpu.memory_space<hbm>> -> memref<100000x128xf32, #tpu.memory_space<hbm>>
    tpu.wait_indirect_dma semaphore(%arg21 : memref<!tpu.dma_semaphore, #tpu.memory_space<semaphore_mem>>) src(%dma_wait3A_38 : memref<100000x128xf32, #tpu.memory_space<hbm>>) dst(%arg15 : memref<128x128xf32, #tpu.memory_space<vmem>>)
    %add3A_39 = arith.constant 0 : i32
    %add3A_40 = arith.addi %add3A_4, %add3A_39 : i32
    %jit3A = arith.constant 8 : i32
    %div3A = arith.divsi %add3A_40, %jit3A : i32
    %sign3A = arith.constant 0 : i32
    %sign3A_41 = arith.cmpi sgt, %add3A_40, %sign3A : i32
    %sign3A_42 = arith.extui %sign3A_41 : i1 to i32
    %sign3A_43 = arith.constant 0 : i32
    %sign3A_44 = arith.cmpi slt, %add3A_40, %sign3A_43 : i32
    %sign3A_45 = arith.extui %sign3A_44 : i1 to i32
    %sign3A_46 = arith.subi %sign3A_42, %sign3A_45 : i32
    %sign3A_47 = arith.constant 0 : i32
    %sign3A_48 = arith.cmpi sgt, %jit3A, %sign3A_47 : i32
    %sign3A_49 = arith.extui %sign3A_48 : i1 to i32
    %sign3A_50 = arith.constant 0 : i32
    %sign3A_51 = arith.cmpi slt, %jit3A, %sign3A_50 : i32
    %sign3A_52 = arith.extui %sign3A_51 : i1 to i32
    %sign3A_53 = arith.subi %sign3A_49, %sign3A_52 : i32
    %ne3A = arith.cmpi ne, %sign3A_46, %sign3A_53 : i32
    %rem3A = arith.remsi %add3A_40, %jit3A : i32
    %ne3A_54 = arith.constant 0 : i32
    %ne3A_55 = arith.cmpi ne, %rem3A, %ne3A_54 : i32
    %and3A = arith.andi %ne3A, %ne3A_55 : i1
    %sub3A = arith.constant 1 : i32
    %sub3A_56 = arith.subi %div3A, %sub3A : i32
    %select_n3A = arith.select %and3A, %sub3A_56, %div3A : i32
    %jit3A_57 = arith.constant 8 : i32
    %eq3A = arith.constant 0 : i32
    %eq3A_58 = arith.cmpi eq, %jit3A_57, %eq3A : i32
    %jit3A_59 = arith.constant 1 : i32
    %select_n3A_60 = arith.select %eq3A_58, %jit3A_59, %jit3A_57 : i32
    %rem3A_61 = arith.remsi %add3A_40, %select_n3A_60 : i32
    %ne3A_62 = arith.constant 0 : i32
    %ne3A_63 = arith.cmpi ne, %rem3A_61, %ne3A_62 : i32
    %lt3A = arith.constant 0 : i32
    %lt3A_64 = arith.cmpi slt, %rem3A_61, %lt3A : i32
    %lt3A_65 = arith.constant 0 : i32
    %lt3A_66 = arith.cmpi slt, %select_n3A_60, %lt3A_65 : i32
    %ne3A_67 = arith.xori %lt3A_64, %lt3A_66 : i1
    %and3A_68 = arith.andi %ne3A_67, %ne3A_63 : i1
    %add3A_69 = arith.addi %rem3A_61, %select_n3A_60 : i32
    %select_n3A_70 = arith.select %and3A_68, %add3A_69, %rem3A_61 : i32
    %mul3A_71 = arith.constant 128 : i32
    %mul3A_72 = arith.muli %select_n3A_70, %mul3A_71 : i32
    %dma_start3A_73 = arith.constant 0 : i32
    %dma_start3A_74 = tpu.memref_slice %arg9[%select_n3A, %mul3A_72, %dma_start3A_73] : memref<201x1024x128xf32, #tpu.memory_space<hbm>> -> memref<1x128x128xf32, #tpu.memory_space<hbm>>
    %dma_start3A_75 = tpu.memref_squeeze %dma_start3A_74 : memref<1x128x128xf32, #tpu.memory_space<hbm>> -> memref<128x128xf32, #tpu.memory_space<hbm>>
    %dma_start3A_76 = arith.constant 0 : i32
    %dma_start3A_77 = tpu.memref_slice %arg9[%select_n3A, %mul3A_72, %dma_start3A_76] : memref<201x1024x128xf32, #tpu.memory_space<hbm>> -> memref<1x128x128xf32, #tpu.memory_space<hbm>>
    %dma_start3A_78 = tpu.memref_squeeze %dma_start3A_77 : memref<1x128x128xf32, #tpu.memory_space<hbm>> -> memref<128x128xf32, #tpu.memory_space<hbm>>
    tpu.enqueue_dma source(%arg15 : memref<128x128xf32, #tpu.memory_space<vmem>>) target(%dma_start3A_78 : memref<128x128xf32, #tpu.memory_space<hbm>>) target_semaphore(%arg27 : memref<!tpu.dma_semaphore, #tpu.memory_space<semaphore_mem>>)
    %dma_start3A_79 = arith.constant 384 : i32
    %dma_start3A_80 = tpu.memref_slice %arg14[%dma_start3A_79] : memref<6528xi32, #tpu.memory_space<vmem>> -> memref<128xi32, #tpu.memory_space<vmem>>
    %dma_start3A_81 = arith.constant 0 : i32
    %dma_start3A_82 = arith.constant 0 : i32
    %dma_start3A_83 = tpu.memref_slice %arg2[%dma_start3A_81, %dma_start3A_82] : memref<100000x128xf32, #tpu.memory_space<hbm>> -> memref<100000x128xf32, #tpu.memory_space<hbm>>
    tpu.enqueue_indirect_dma source(%dma_start3A_83 : memref<100000x128xf32, #tpu.memory_space<hbm>>) target(%arg18 : memref<128x128xf32, #tpu.memory_space<vmem>>) offsets(%dma_start3A_80 : memref<128xi32, #tpu.memory_space<vmem>>) semaphore(%arg24 : memref<!tpu.dma_semaphore, #tpu.memory_space<semaphore_mem>>)
    %dma_wait3A_84 = arith.constant 0 : i32
    %dma_wait3A_85 = tpu.memref_slice %arg14[%dma_wait3A_84] : memref<6528xi32, #tpu.memory_space<vmem>> -> memref<128xi32, #tpu.memory_space<vmem>>
    %dma_wait3A_86 = arith.constant 0 : i32
    %dma_wait3A_87 = arith.constant 0 : i32
    %dma_wait3A_88 = tpu.memref_slice %arg2[%dma_wait3A_86, %dma_wait3A_87] : memref<100000x128xf32, #tpu.memory_space<hbm>> -> memref<100000x128xf32, #tpu.memory_space<hbm>>
    tpu.wait_indirect_dma semaphore(%arg22 : memref<!tpu.dma_semaphore, #tpu.memory_space<semaphore_mem>>) src(%dma_wait3A_88 : memref<100000x128xf32, #tpu.memory_space<hbm>>) dst(%arg16 : memref<128x128xf32, #tpu.memory_space<vmem>>)
    %add3A_89 = arith.constant 1 : i32
    %add3A_90 = arith.addi %add3A_4, %add3A_89 : i32
    %jit3A_91 = arith.constant 8 : i32
    %div3A_92 = arith.divsi %add3A_90, %jit3A_91 : i32
    %sign3A_93 = arith.constant 0 : i32
    %sign3A_94 = arith.cmpi sgt, %add3A_90, %sign3A_93 : i32
    %sign3A_95 = arith.extui %sign3A_94 : i1 to i32
    %sign3A_96 = arith.constant 0 : i32
    %sign3A_97 = arith.cmpi slt, %add3A_90, %sign3A_96 : i32
    %sign3A_98 = arith.extui %sign3A_97 : i1 to i32
    %sign3A_99 = arith.subi %sign3A_95, %sign3A_98 : i32
    %sign3A_100 = arith.constant 0 : i32
    %sign3A_101 = arith.cmpi sgt, %jit3A_91, %sign3A_100 : i32
    %sign3A_102 = arith.extui %sign3A_101 : i1 to i32
    %sign3A_103 = arith.constant 0 : i32
    %sign3A_104 = arith.cmpi slt, %jit3A_91, %sign3A_103 : i32
    %sign3A_105 = arith.extui %sign3A_104 : i1 to i32
    %sign3A_106 = arith.subi %sign3A_102, %sign3A_105 : i32
    %ne3A_107 = arith.cmpi ne, %sign3A_99, %sign3A_106 : i32
    %rem3A_108 = arith.remsi %add3A_90, %jit3A_91 : i32
    %ne3A_109 = arith.constant 0 : i32
    %ne3A_110 = arith.cmpi ne, %rem3A_108, %ne3A_109 : i32
    %and3A_111 = arith.andi %ne3A_107, %ne3A_110 : i1
    %sub3A_112 = arith.constant 1 : i32
    %sub3A_113 = arith.subi %div3A_92, %sub3A_112 : i32
    %select_n3A_114 = arith.select %and3A_111, %sub3A_113, %div3A_92 : i32
    %jit3A_115 = arith.constant 8 : i32
    %eq3A_116 = arith.constant 0 : i32
    %eq3A_117 = arith.cmpi eq, %jit3A_115, %eq3A_116 : i32
    %jit3A_118 = arith.constant 1 : i32
    %select_n3A_119 = arith.select %eq3A_117, %jit3A_118, %jit3A_115 : i32
    %rem3A_120 = arith.remsi %add3A_90, %select_n3A_119 : i32
    %ne3A_121 = arith.constant 0 : i32
    %ne3A_122 = arith.cmpi ne, %rem3A_120, %ne3A_121 : i32
    %lt3A_123 = arith.constant 0 : i32
    %lt3A_124 = arith.cmpi slt, %rem3A_120, %lt3A_123 : i32
    %lt3A_125 = arith.constant 0 : i32
    %lt3A_126 = arith.cmpi slt, %select_n3A_119, %lt3A_125 : i32
    %ne3A_127 = arith.xori %lt3A_124, %lt3A_126 : i1
    %and3A_128 = arith.andi %ne3A_127, %ne3A_122 : i1
    %add3A_129 = arith.addi %rem3A_120, %select_n3A_119 : i32
    %select_n3A_130 = arith.select %and3A_128, %add3A_129, %rem3A_120 : i32
    %mul3A_131 = arith.constant 128 : i32
    %mul3A_132 = arith.muli %select_n3A_130, %mul3A_131 : i32
    %dma_start3A_133 = arith.constant 0 : i32
    %dma_start3A_134 = tpu.memref_slice %arg9[%select_n3A_114, %mul3A_132, %dma_start3A_133] : memref<201x1024x128xf32, #tpu.memory_space<hbm>> -> memref<1x128x128xf32, #tpu.memory_space<hbm>>
    %dma_start3A_135 = tpu.memref_squeeze %dma_start3A_134 : memref<1x128x128xf32, #tpu.memory_space<hbm>> -> memref<128x128xf32, #tpu.memory_space<hbm>>
    %dma_start3A_136 = arith.constant 0 : i32
    %dma_start3A_137 = tpu.memref_slice %arg9[%select_n3A_114, %mul3A_132, %dma_start3A_136] : memref<201x1024x128xf32, #tpu.memory_space<hbm>> -> memref<1x128x128xf32, #tpu.memory_space<hbm>>
    %dma_start3A_138 = tpu.memref_squeeze %dma_start3A_137 : memref<1x128x128xf32, #tpu.memory_space<hbm>> -> memref<128x128xf32, #tpu.memory_space<hbm>>
    tpu.enqueue_dma source(%arg16 : memref<128x128xf32, #tpu.memory_space<vmem>>) target(%dma_start3A_138 : memref<128x128xf32, #tpu.memory_space<hbm>>) target_semaphore(%arg28 : memref<!tpu.dma_semaphore, #tpu.memory_space<semaphore_mem>>)
    %dma_start3A_139 = arith.constant 512 : i32
    %dma_start3A_140 = tpu.memref_slice %arg14[%dma_start3A_139] : memref<6528xi32, #tpu.memory_space<vmem>> -> memref<128xi32, #tpu.memory_space<vmem>>
    %dma_start3A_141 = arith.constant 0 : i32
    %dma_start3A_142 = arith.constant 0 : i32
    %dma_start3A_143 = tpu.memref_slice %arg2[%dma_start3A_141, %dma_start3A_142] : memref<100000x128xf32, #tpu.memory_space<hbm>> -> memref<100000x128xf32, #tpu.memory_space<hbm>>
    tpu.enqueue_indirect_dma source(%dma_start3A_143 : memref<100000x128xf32, #tpu.memory_space<hbm>>) target(%arg19 : memref<128x128xf32, #tpu.memory_space<vmem>>) offsets(%dma_start3A_140 : memref<128xi32, #tpu.memory_space<vmem>>) semaphore(%arg25 : memref<!tpu.dma_semaphore, #tpu.memory_space<semaphore_mem>>)
    %dma_wait3A_144 = arith.constant 0 : i32
    %dma_wait3A_145 = tpu.memref_slice %arg14[%dma_wait3A_144] : memref<6528xi32, #tpu.memory_space<vmem>> -> memref<128xi32, #tpu.memory_space<vmem>>
    %dma_wait3A_146 = arith.constant 0 : i32
    %dma_wait3A_147 = arith.constant 0 : i32
    %dma_wait3A_148 = tpu.memref_slice %arg2[%dma_wait3A_146, %dma_wait3A_147] : memref<100000x128xf32, #tpu.memory_space<hbm>> -> memref<100000x128xf32, #tpu.memory_space<hbm>>
    tpu.wait_indirect_dma semaphore(%arg23 : memref<!tpu.dma_semaphore, #tpu.memory_space<semaphore_mem>>) src(%dma_wait3A_148 : memref<100000x128xf32, #tpu.memory_space<hbm>>) dst(%arg17 : memref<128x128xf32, #tpu.memory_space<vmem>>)
    %add3A_149 = arith.constant 2 : i32
    %add3A_150 = arith.addi %add3A_4, %add3A_149 : i32
    %jit3A_151 = arith.constant 8 : i32
    %div3A_152 = arith.divsi %add3A_150, %jit3A_151 : i32
    %sign3A_153 = arith.constant 0 : i32
    %sign3A_154 = arith.cmpi sgt, %add3A_150, %sign3A_153 : i32
    %sign3A_155 = arith.extui %sign3A_154 : i1 to i32
    %sign3A_156 = arith.constant 0 : i32
    %sign3A_157 = arith.cmpi slt, %add3A_150, %sign3A_156 : i32
    %sign3A_158 = arith.extui %sign3A_157 : i1 to i32
    %sign3A_159 = arith.subi %sign3A_155, %sign3A_158 : i32
    %sign3A_160 = arith.constant 0 : i32
    %sign3A_161 = arith.cmpi sgt, %jit3A_151, %sign3A_160 : i32
    %sign3A_162 = arith.extui %sign3A_161 : i1 to i32
    %sign3A_163 = arith.constant 0 : i32
    %sign3A_164 = arith.cmpi slt, %jit3A_151, %sign3A_163 : i32
    %sign3A_165 = arith.extui %sign3A_164 : i1 to i32
    %sign3A_166 = arith.subi %sign3A_162, %sign3A_165 : i32
    %ne3A_167 = arith.cmpi ne, %sign3A_159, %sign3A_166 : i32
    %rem3A_168 = arith.remsi %add3A_150, %jit3A_151 : i32
    %ne3A_169 = arith.constant 0 : i32
    %ne3A_170 = arith.cmpi ne, %rem3A_168, %ne3A_169 : i32
    %and3A_171 = arith.andi %ne3A_167, %ne3A_170 : i1
    %sub3A_172 = arith.constant 1 : i32
    %sub3A_173 = arith.subi %div3A_152, %sub3A_172 : i32
    %select_n3A_174 = arith.select %and3A_171, %sub3A_173, %div3A_152 : i32
    %jit3A_175 = arith.constant 8 : i32
    %eq3A_176 = arith.constant 0 : i32
    %eq3A_177 = arith.cmpi eq, %jit3A_175, %eq3A_176 : i32
    %jit3A_178 = arith.constant 1 : i32
    %select_n3A_179 = arith.select %eq3A_177, %jit3A_178, %jit3A_175 : i32
    %rem3A_180 = arith.remsi %add3A_150, %select_n3A_179 : i32
    %ne3A_181 = arith.constant 0 : i32
    %ne3A_182 = arith.cmpi ne, %rem3A_180, %ne3A_181 : i32
    %lt3A_183 = arith.constant 0 : i32
    %lt3A_184 = arith.cmpi slt, %rem3A_180, %lt3A_183 : i32
    %lt3A_185 = arith.constant 0 : i32
    %lt3A_186 = arith.cmpi slt, %select_n3A_179, %lt3A_185 : i32
    %ne3A_187 = arith.xori %lt3A_184, %lt3A_186 : i1
    %and3A_188 = arith.andi %ne3A_187, %ne3A_182 : i1
    %add3A_189 = arith.addi %rem3A_180, %select_n3A_179 : i32
    %select_n3A_190 = arith.select %and3A_188, %add3A_189, %rem3A_180 : i32
    %mul3A_191 = arith.constant 128 : i32
    %mul3A_192 = arith.muli %select_n3A_190, %mul3A_191 : i32
    %dma_start3A_193 = arith.constant 0 : i32
    %dma_start3A_194 = tpu.memref_slice %arg9[%select_n3A_174, %mul3A_192, %dma_start3A_193] : memref<201x1024x128xf32, #tpu.memory_space<hbm>> -> memref<1x128x128xf32, #tpu.memory_space<hbm>>
    %dma_start3A_195 = tpu.memref_squeeze %dma_start3A_194 : memref<1x128x128xf32, #tpu.memory_space<hbm>> -> memref<128x128xf32, #tpu.memory_space<hbm>>
    %dma_start3A_196 = arith.constant 0 : i32
    %dma_start3A_197 = tpu.memref_slice %arg9[%select_n3A_174, %mul3A_192, %dma_start3A_196] : memref<201x1024x128xf32, #tpu.memory_space<hbm>> -> memref<1x128x128xf32, #tpu.memory_space<hbm>>
    %dma_start3A_198 = tpu.memref_squeeze %dma_start3A_197 : memref<1x128x128xf32, #tpu.memory_space<hbm>> -> memref<128x128xf32, #tpu.memory_space<hbm>>
    tpu.enqueue_dma source(%arg17 : memref<128x128xf32, #tpu.memory_space<vmem>>) target(%dma_start3A_198 : memref<128x128xf32, #tpu.memory_space<hbm>>) target_semaphore(%arg29 : memref<!tpu.dma_semaphore, #tpu.memory_space<semaphore_mem>>)
    %dma_start3A_199 = arith.constant 640 : i32
    %dma_start3A_200 = tpu.memref_slice %arg14[%dma_start3A_199] : memref<6528xi32, #tpu.memory_space<vmem>> -> memref<128xi32, #tpu.memory_space<vmem>>
    %dma_start3A_201 = arith.constant 0 : i32
    %dma_start3A_202 = arith.constant 0 : i32
    %dma_start3A_203 = tpu.memref_slice %arg2[%dma_start3A_201, %dma_start3A_202] : memref<100000x128xf32, #tpu.memory_space<hbm>> -> memref<100000x128xf32, #tpu.memory_space<hbm>>
    tpu.enqueue_indirect_dma source(%dma_start3A_203 : memref<100000x128xf32, #tpu.memory_space<hbm>>) target(%arg20 : memref<128x128xf32, #tpu.memory_space<vmem>>) offsets(%dma_start3A_200 : memref<128xi32, #tpu.memory_space<vmem>>) semaphore(%arg26 : memref<!tpu.dma_semaphore, #tpu.memory_space<semaphore_mem>>)
    %scan3A = arith.constant 0 : i32
    %scan3A_204 = arith.constant 0 : i32
    %scan3A_205 = arith.constant 7 : i32
    %scan3A_206 = arith.addi %scan3A_204, %scan3A_205 : i32
    %scan3A_207 = arith.constant 1 : i32
    scf.for %scan3A_903 = %scan3A_204 to %scan3A_206 step %scan3A_207  : i32 {
      %mul3A_904 = arith.constant 6 : i32
      %mul3A_905 = arith.muli %mul3A_904, %scan3A_903 : i32
      %add3A_906 = arith.constant 3 : i32
      %add3A_907 = arith.addi %mul3A_905, %add3A_906 : i32
      %add3A_908 = arith.constant 0 : i32
      %add3A_909 = arith.addi %add3A_907, %add3A_908 : i32
      %dma_wait3A_910 = arith.constant 0 : i32
      %dma_wait3A_911 = tpu.memref_slice %arg14[%dma_wait3A_910] : memref<6528xi32, #tpu.memory_space<vmem>> -> memref<128xi32, #tpu.memory_space<vmem>>
      %dma_wait3A_912 = arith.constant 0 : i32
      %dma_wait3A_913 = arith.constant 0 : i32
      %dma_wait3A_914 = tpu.memref_slice %arg2[%dma_wait3A_912, %dma_wait3A_913] : memref<100000x128xf32, #tpu.memory_space<hbm>> -> memref<100000x128xf32, #tpu.memory_space<hbm>>
      tpu.wait_indirect_dma semaphore(%arg24 : memref<!tpu.dma_semaphore, #tpu.memory_space<semaphore_mem>>) src(%dma_wait3A_914 : memref<100000x128xf32, #tpu.memory_space<hbm>>) dst(%arg18 : memref<128x128xf32, #tpu.memory_space<vmem>>)
      %add3A_915 = arith.addi %add3A_4, %add3A_909 : i32
      %jit3A_916 = arith.constant 8 : i32
      %div3A_917 = arith.divsi %add3A_915, %jit3A_916 : i32
      %sign3A_918 = arith.constant 0 : i32
      %sign3A_919 = arith.cmpi sgt, %add3A_915, %sign3A_918 : i32
      %sign3A_920 = arith.extui %sign3A_919 : i1 to i32
      %sign3A_921 = arith.constant 0 : i32
      %sign3A_922 = arith.cmpi slt, %add3A_915, %sign3A_921 : i32
      %sign3A_923 = arith.extui %sign3A_922 : i1 to i32
      %sign3A_924 = arith.subi %sign3A_920, %sign3A_923 : i32
      %sign3A_925 = arith.constant 0 : i32
      %sign3A_926 = arith.cmpi sgt, %jit3A_916, %sign3A_925 : i32
      %sign3A_927 = arith.extui %sign3A_926 : i1 to i32
      %sign3A_928 = arith.constant 0 : i32
      %sign3A_929 = arith.cmpi slt, %jit3A_916, %sign3A_928 : i32
      %sign3A_930 = arith.extui %sign3A_929 : i1 to i32
      %sign3A_931 = arith.subi %sign3A_927, %sign3A_930 : i32
      %ne3A_932 = arith.cmpi ne, %sign3A_924, %sign3A_931 : i32
      %rem3A_933 = arith.remsi %add3A_915, %jit3A_916 : i32
      %ne3A_934 = arith.constant 0 : i32
      %ne3A_935 = arith.cmpi ne, %rem3A_933, %ne3A_934 : i32
      %and3A_936 = arith.andi %ne3A_932, %ne3A_935 : i1
      %sub3A_937 = arith.constant 1 : i32
      %sub3A_938 = arith.subi %div3A_917, %sub3A_937 : i32
      %select_n3A_939 = arith.select %and3A_936, %sub3A_938, %div3A_917 : i32
      %jit3A_940 = arith.constant 8 : i32
      %eq3A_941 = arith.constant 0 : i32
      %eq3A_942 = arith.cmpi eq, %jit3A_940, %eq3A_941 : i32
      %jit3A_943 = arith.constant 1 : i32
      %select_n3A_944 = arith.select %eq3A_942, %jit3A_943, %jit3A_940 : i32
      %rem3A_945 = arith.remsi %add3A_915, %select_n3A_944 : i32
      %ne3A_946 = arith.constant 0 : i32
      %ne3A_947 = arith.cmpi ne, %rem3A_945, %ne3A_946 : i32
      %lt3A_948 = arith.constant 0 : i32
      %lt3A_949 = arith.cmpi slt, %rem3A_945, %lt3A_948 : i32
      %lt3A_950 = arith.constant 0 : i32
      %lt3A_951 = arith.cmpi slt, %select_n3A_944, %lt3A_950 : i32
      %ne3A_952 = arith.xori %lt3A_949, %lt3A_951 : i1
      %and3A_953 = arith.andi %ne3A_952, %ne3A_947 : i1
      %add3A_954 = arith.addi %rem3A_945, %select_n3A_944 : i32
      %select_n3A_955 = arith.select %and3A_953, %add3A_954, %rem3A_945 : i32
      %mul3A_956 = arith.constant 128 : i32
      %mul3A_957 = arith.muli %select_n3A_955, %mul3A_956 : i32
      %dma_start3A_958 = arith.constant 0 : i32
      %dma_start3A_959 = tpu.memref_slice %arg9[%select_n3A_939, %mul3A_957, %dma_start3A_958] : memref<201x1024x128xf32, #tpu.memory_space<hbm>> -> memref<1x128x128xf32, #tpu.memory_space<hbm>>
      %dma_start3A_960 = tpu.memref_squeeze %dma_start3A_959 : memref<1x128x128xf32, #tpu.memory_space<hbm>> -> memref<128x128xf32, #tpu.memory_space<hbm>>
      %dma_start3A_961 = arith.constant 0 : i32
      %dma_start3A_962 = tpu.memref_slice %arg9[%select_n3A_939, %mul3A_957, %dma_start3A_961] : memref<201x1024x128xf32, #tpu.memory_space<hbm>> -> memref<1x128x128xf32, #tpu.memory_space<hbm>>
      %dma_start3A_963 = tpu.memref_squeeze %dma_start3A_962 : memref<1x128x128xf32, #tpu.memory_space<hbm>> -> memref<128x128xf32, #tpu.memory_space<hbm>>
      tpu.enqueue_dma source(%arg18 : memref<128x128xf32, #tpu.memory_space<vmem>>) target(%dma_start3A_963 : memref<128x128xf32, #tpu.memory_space<hbm>>) target_semaphore(%arg30 : memref<!tpu.dma_semaphore, #tpu.memory_space<semaphore_mem>>)
      %add3A_964 = arith.constant 0 : i32
      %add3A_965 = arith.addi %add3A_4, %add3A_964 : i32
      %jit3A_966 = arith.constant 8 : i32
      %div3A_967 = arith.divsi %add3A_965, %jit3A_966 : i32
      %sign3A_968 = arith.constant 0 : i32
      %sign3A_969 = arith.cmpi sgt, %add3A_965, %sign3A_968 : i32
      %sign3A_970 = arith.extui %sign3A_969 : i1 to i32
      %sign3A_971 = arith.constant 0 : i32
      %sign3A_972 = arith.cmpi slt, %add3A_965, %sign3A_971 : i32
      %sign3A_973 = arith.extui %sign3A_972 : i1 to i32
      %sign3A_974 = arith.subi %sign3A_970, %sign3A_973 : i32
      %sign3A_975 = arith.constant 0 : i32
      %sign3A_976 = arith.cmpi sgt, %jit3A_966, %sign3A_975 : i32
      %sign3A_977 = arith.extui %sign3A_976 : i1 to i32
      %sign3A_978 = arith.constant 0 : i32
      %sign3A_979 = arith.cmpi slt, %jit3A_966, %sign3A_978 : i32
      %sign3A_980 = arith.extui %sign3A_979 : i1 to i32
      %sign3A_981 = arith.subi %sign3A_977, %sign3A_980 : i32
      %ne3A_982 = arith.cmpi ne, %sign3A_974, %sign3A_981 : i32
      %rem3A_983 = arith.remsi %add3A_965, %jit3A_966 : i32
      %ne3A_984 = arith.constant 0 : i32
      %ne3A_985 = arith.cmpi ne, %rem3A_983, %ne3A_984 : i32
      %and3A_986 = arith.andi %ne3A_982, %ne3A_985 : i1
      %sub3A_987 = arith.constant 1 : i32
      %sub3A_988 = arith.subi %div3A_967, %sub3A_987 : i32
      %select_n3A_989 = arith.select %and3A_986, %sub3A_988, %div3A_967 : i32
      %jit3A_990 = arith.constant 8 : i32
      %eq3A_991 = arith.constant 0 : i32
      %eq3A_992 = arith.cmpi eq, %jit3A_990, %eq3A_991 : i32
      %jit3A_993 = arith.constant 1 : i32
      %select_n3A_994 = arith.select %eq3A_992, %jit3A_993, %jit3A_990 : i32
      %rem3A_995 = arith.remsi %add3A_965, %select_n3A_994 : i32
      %ne3A_996 = arith.constant 0 : i32
      %ne3A_997 = arith.cmpi ne, %rem3A_995, %ne3A_996 : i32
      %lt3A_998 = arith.constant 0 : i32
      %lt3A_999 = arith.cmpi slt, %rem3A_995, %lt3A_998 : i32
      %lt3A_1000 = arith.constant 0 : i32
      %lt3A_1001 = arith.cmpi slt, %select_n3A_994, %lt3A_1000 : i32
      %ne3A_1002 = arith.xori %lt3A_999, %lt3A_1001 : i1
      %and3A_1003 = arith.andi %ne3A_1002, %ne3A_997 : i1
      %add3A_1004 = arith.addi %rem3A_995, %select_n3A_994 : i32
      %select_n3A_1005 = arith.select %and3A_1003, %add3A_1004, %rem3A_995 : i32
      %mul3A_1006 = arith.constant 128 : i32
      %mul3A_1007 = arith.muli %select_n3A_1005, %mul3A_1006 : i32
      %dma_wait3A_1008 = arith.constant 0 : i32
      %dma_wait3A_1009 = tpu.memref_slice %arg9[%select_n3A_989, %mul3A_1007, %dma_wait3A_1008] : memref<201x1024x128xf32, #tpu.memory_space<hbm>> -> memref<1x128x128xf32, #tpu.memory_space<hbm>>
      %dma_wait3A_1010 = tpu.memref_squeeze %dma_wait3A_1009 : memref<1x128x128xf32, #tpu.memory_space<hbm>> -> memref<128x128xf32, #tpu.memory_space<hbm>>
      %dma_wait3A_1011 = arith.constant 0 : i32
      %dma_wait3A_1012 = tpu.memref_slice %arg9[%select_n3A_989, %mul3A_1007, %dma_wait3A_1011] : memref<201x1024x128xf32, #tpu.memory_space<hbm>> -> memref<1x128x128xf32, #tpu.memory_space<hbm>>
      %dma_wait3A_1013 = tpu.memref_squeeze %dma_wait3A_1012 : memref<1x128x128xf32, #tpu.memory_space<hbm>> -> memref<128x128xf32, #tpu.memory_space<hbm>>
      tpu.wait_dma2 semaphore(%arg27 : memref<!tpu.dma_semaphore, #tpu.memory_space<semaphore_mem>>) src(%arg15 : memref<128x128xf32, #tpu.memory_space<vmem>>) dst(%dma_wait3A_1013 : memref<128x128xf32, #tpu.memory_space<hbm>>)
      %add3A_1014 = arith.constant 3 : i32
      %add3A_1015 = arith.addi %add3A_909, %add3A_1014 : i32
      %mul3A_1016 = arith.constant 128 : i32
      %mul3A_1017 = arith.muli %add3A_1015, %mul3A_1016 : i32
      %dma_start3A_1018 = tpu.memref_slice %arg14[%mul3A_1017] : memref<6528xi32, #tpu.memory_space<vmem>> -> memref<128xi32, #tpu.memory_space<vmem>>
      %dma_start3A_1019 = arith.constant 0 : i32
      %dma_start3A_1020 = arith.constant 0 : i32
      %dma_start3A_1021 = tpu.memref_slice %arg2[%dma_start3A_1019, %dma_start3A_1020] : memref<100000x128xf32, #tpu.memory_space<hbm>> -> memref<100000x128xf32, #tpu.memory_space<hbm>>
      tpu.enqueue_indirect_dma source(%dma_start3A_1021 : memref<100000x128xf32, #tpu.memory_space<hbm>>) target(%arg15 : memref<128x128xf32, #tpu.memory_space<vmem>>) offsets(%dma_start3A_1018 : memref<128xi32, #tpu.memory_space<vmem>>) semaphore(%arg21 : memref<!tpu.dma_semaphore, #tpu.memory_space<semaphore_mem>>)
      %mul3A_1022 = arith.constant 6 : i32
      %mul3A_1023 = arith.muli %mul3A_1022, %scan3A_903 : i32
      %add3A_1024 = arith.constant 3 : i32
      %add3A_1025 = arith.addi %mul3A_1023, %add3A_1024 : i32
      %add3A_1026 = arith.constant 1 : i32
      %add3A_1027 = arith.addi %add3A_1025, %add3A_1026 : i32
      %dma_wait3A_1028 = arith.constant 0 : i32
      %dma_wait3A_1029 = tpu.memref_slice %arg14[%dma_wait3A_1028] : memref<6528xi32, #tpu.memory_space<vmem>> -> memref<128xi32, #tpu.memory_space<vmem>>
      %dma_wait3A_1030 = arith.constant 0 : i32
      %dma_wait3A_1031 = arith.constant 0 : i32
      %dma_wait3A_1032 = tpu.memref_slice %arg2[%dma_wait3A_1030, %dma_wait3A_1031] : memref<100000x128xf32, #tpu.memory_space<hbm>> -> memref<100000x128xf32, #tpu.memory_space<hbm>>
      tpu.wait_indirect_dma semaphore(%arg25 : memref<!tpu.dma_semaphore, #tpu.memory_space<semaphore_mem>>) src(%dma_wait3A_1032 : memref<100000x128xf32, #tpu.memory_space<hbm>>) dst(%arg19 : memref<128x128xf32, #tpu.memory_space<vmem>>)
      %add3A_1033 = arith.addi %add3A_4, %add3A_1027 : i32
      %jit3A_1034 = arith.constant 8 : i32
      %div3A_1035 = arith.divsi %add3A_1033, %jit3A_1034 : i32
      %sign3A_1036 = arith.constant 0 : i32
      %sign3A_1037 = arith.cmpi sgt, %add3A_1033, %sign3A_1036 : i32
      %sign3A_1038 = arith.extui %sign3A_1037 : i1 to i32
      %sign3A_1039 = arith.constant 0 : i32
      %sign3A_1040 = arith.cmpi slt, %add3A_1033, %sign3A_1039 : i32
      %sign3A_1041 = arith.extui %sign3A_1040 : i1 to i32
      %sign3A_1042 = arith.subi %sign3A_1038, %sign3A_1041 : i32
      %sign3A_1043 = arith.constant 0 : i32
      %sign3A_1044 = arith.cmpi sgt, %jit3A_1034, %sign3A_1043 : i32
      %sign3A_1045 = arith.extui %sign3A_1044 : i1 to i32
      %sign3A_1046 = arith.constant 0 : i32
      %sign3A_1047 = arith.cmpi slt, %jit3A_1034, %sign3A_1046 : i32
      %sign3A_1048 = arith.extui %sign3A_1047 : i1 to i32
      %sign3A_1049 = arith.subi %sign3A_1045, %sign3A_1048 : i32
      %ne3A_1050 = arith.cmpi ne, %sign3A_1042, %sign3A_1049 : i32
      %rem3A_1051 = arith.remsi %add3A_1033, %jit3A_1034 : i32
      %ne3A_1052 = arith.constant 0 : i32
      %ne3A_1053 = arith.cmpi ne, %rem3A_1051, %ne3A_1052 : i32
      %and3A_1054 = arith.andi %ne3A_1050, %ne3A_1053 : i1
      %sub3A_1055 = arith.constant 1 : i32
      %sub3A_1056 = arith.subi %div3A_1035, %sub3A_1055 : i32
      %select_n3A_1057 = arith.select %and3A_1054, %sub3A_1056, %div3A_1035 : i32
      %jit3A_1058 = arith.constant 8 : i32
      %eq3A_1059 = arith.constant 0 : i32
      %eq3A_1060 = arith.cmpi eq, %jit3A_1058, %eq3A_1059 : i32
      %jit3A_1061 = arith.constant 1 : i32
      %select_n3A_1062 = arith.select %eq3A_1060, %jit3A_1061, %jit3A_1058 : i32
      %rem3A_1063 = arith.remsi %add3A_1033, %select_n3A_1062 : i32
      %ne3A_1064 = arith.constant 0 : i32
      %ne3A_1065 = arith.cmpi ne, %rem3A_1063, %ne3A_1064 : i32
      %lt3A_1066 = arith.constant 0 : i32
      %lt3A_1067 = arith.cmpi slt, %rem3A_1063, %lt3A_1066 : i32
      %lt3A_1068 = arith.constant 0 : i32
      %lt3A_1069 = arith.cmpi slt, %select_n3A_1062, %lt3A_1068 : i32
      %ne3A_1070 = arith.xori %lt3A_1067, %lt3A_1069 : i1
      %and3A_1071 = arith.andi %ne3A_1070, %ne3A_1065 : i1
      %add3A_1072 = arith.addi %rem3A_1063, %select_n3A_1062 : i32
      %select_n3A_1073 = arith.select %and3A_1071, %add3A_1072, %rem3A_1063 : i32
      %mul3A_1074 = arith.constant 128 : i32
      %mul3A_1075 = arith.muli %select_n3A_1073, %mul3A_1074 : i32
      %dma_start3A_1076 = arith.constant 0 : i32
      %dma_start3A_1077 = tpu.memref_slice %arg9[%select_n3A_1057, %mul3A_1075, %dma_start3A_1076] : memref<201x1024x128xf32, #tpu.memory_space<hbm>> -> memref<1x128x128xf32, #tpu.memory_space<hbm>>
      %dma_start3A_1078 = tpu.memref_squeeze %dma_start3A_1077 : memref<1x128x128xf32, #tpu.memory_space<hbm>> -> memref<128x128xf32, #tpu.memory_space<hbm>>
      %dma_start3A_1079 = arith.constant 0 : i32
      %dma_start3A_1080 = tpu.memref_slice %arg9[%select_n3A_1057, %mul3A_1075, %dma_start3A_1079] : memref<201x1024x128xf32, #tpu.memory_space<hbm>> -> memref<1x128x128xf32, #tpu.memory_space<hbm>>
      %dma_start3A_1081 = tpu.memref_squeeze %dma_start3A_1080 : memref<1x128x128xf32, #tpu.memory_space<hbm>> -> memref<128x128xf32, #tpu.memory_space<hbm>>
      tpu.enqueue_dma source(%arg19 : memref<128x128xf32, #tpu.memory_space<vmem>>) target(%dma_start3A_1081 : memref<128x128xf32, #tpu.memory_space<hbm>>) target_semaphore(%arg31 : memref<!tpu.dma_semaphore, #tpu.memory_space<semaphore_mem>>)
      %add3A_1082 = arith.constant 0 : i32
      %add3A_1083 = arith.addi %add3A_4, %add3A_1082 : i32
      %jit3A_1084 = arith.constant 8 : i32
      %div3A_1085 = arith.divsi %add3A_1083, %jit3A_1084 : i32
      %sign3A_1086 = arith.constant 0 : i32
      %sign3A_1087 = arith.cmpi sgt, %add3A_1083, %sign3A_1086 : i32
      %sign3A_1088 = arith.extui %sign3A_1087 : i1 to i32
      %sign3A_1089 = arith.constant 0 : i32
      %sign3A_1090 = arith.cmpi slt, %add3A_1083, %sign3A_1089 : i32
      %sign3A_1091 = arith.extui %sign3A_1090 : i1 to i32
      %sign3A_1092 = arith.subi %sign3A_1088, %sign3A_1091 : i32
      %sign3A_1093 = arith.constant 0 : i32
      %sign3A_1094 = arith.cmpi sgt, %jit3A_1084, %sign3A_1093 : i32
      %sign3A_1095 = arith.extui %sign3A_1094 : i1 to i32
      %sign3A_1096 = arith.constant 0 : i32
      %sign3A_1097 = arith.cmpi slt, %jit3A_1084, %sign3A_1096 : i32
      %sign3A_1098 = arith.extui %sign3A_1097 : i1 to i32
      %sign3A_1099 = arith.subi %sign3A_1095, %sign3A_1098 : i32
      %ne3A_1100 = arith.cmpi ne, %sign3A_1092, %sign3A_1099 : i32
      %rem3A_1101 = arith.remsi %add3A_1083, %jit3A_1084 : i32
      %ne3A_1102 = arith.constant 0 : i32
      %ne3A_1103 = arith.cmpi ne, %rem3A_1101, %ne3A_1102 : i32
      %and3A_1104 = arith.andi %ne3A_1100, %ne3A_1103 : i1
      %sub3A_1105 = arith.constant 1 : i32
      %sub3A_1106 = arith.subi %div3A_1085, %sub3A_1105 : i32
      %select_n3A_1107 = arith.select %and3A_1104, %sub3A_1106, %div3A_1085 : i32
      %jit3A_1108 = arith.constant 8 : i32
      %eq3A_1109 = arith.constant 0 : i32
      %eq3A_1110 = arith.cmpi eq, %jit3A_1108, %eq3A_1109 : i32
      %jit3A_1111 = arith.constant 1 : i32
      %select_n3A_1112 = arith.select %eq3A_1110, %jit3A_1111, %jit3A_1108 : i32
      %rem3A_1113 = arith.remsi %add3A_1083, %select_n3A_1112 : i32
      %ne3A_1114 = arith.constant 0 : i32
      %ne3A_1115 = arith.cmpi ne, %rem3A_1113, %ne3A_1114 : i32
      %lt3A_1116 = arith.constant 0 : i32
      %lt3A_1117 = arith.cmpi slt, %rem3A_1113, %lt3A_1116 : i32
      %lt3A_1118 = arith.constant 0 : i32
      %lt3A_1119 = arith.cmpi slt, %select_n3A_1112, %lt3A_1118 : i32
      %ne3A_1120 = arith.xori %lt3A_1117, %lt3A_1119 : i1
      %and3A_1121 = arith.andi %ne3A_1120, %ne3A_1115 : i1
      %add3A_1122 = arith.addi %rem3A_1113, %select_n3A_1112 : i32
      %select_n3A_1123 = arith.select %and3A_1121, %add3A_1122, %rem3A_1113 : i32
      %mul3A_1124 = arith.constant 128 : i32
      %mul3A_1125 = arith.muli %select_n3A_1123, %mul3A_1124 : i32
      %dma_wait3A_1126 = arith.constant 0 : i32
      %dma_wait3A_1127 = tpu.memref_slice %arg9[%select_n3A_1107, %mul3A_1125, %dma_wait3A_1126] : memref<201x1024x128xf32, #tpu.memory_space<hbm>> -> memref<1x128x128xf32, #tpu.memory_space<hbm>>
      %dma_wait3A_1128 = tpu.memref_squeeze %dma_wait3A_1127 : memref<1x128x128xf32, #tpu.memory_space<hbm>> -> memref<128x128xf32, #tpu.memory_space<hbm>>
      %dma_wait3A_1129 = arith.constant 0 : i32
      %dma_wait3A_1130 = tpu.memref_slice %arg9[%select_n3A_1107, %mul3A_1125, %dma_wait3A_1129] : memref<201x1024x128xf32, #tpu.memory_space<hbm>> -> memref<1x128x128xf32, #tpu.memory_space<hbm>>
      %dma_wait3A_1131 = tpu.memref_squeeze %dma_wait3A_1130 : memref<1x128x128xf32, #tpu.memory_space<hbm>> -> memref<128x128xf32, #tpu.memory_space<hbm>>
      tpu.wait_dma2 semaphore(%arg28 : memref<!tpu.dma_semaphore, #tpu.memory_space<semaphore_mem>>) src(%arg16 : memref<128x128xf32, #tpu.memory_space<vmem>>) dst(%dma_wait3A_1131 : memref<128x128xf32, #tpu.memory_space<hbm>>)
      %add3A_1132 = arith.constant 3 : i32
      %add3A_1133 = arith.addi %add3A_1027, %add3A_1132 : i32
      %mul3A_1134 = arith.constant 128 : i32
      %mul3A_1135 = arith.muli %add3A_1133, %mul3A_1134 : i32
      %dma_start3A_1136 = tpu.memref_slice %arg14[%mul3A_1135] : memref<6528xi32, #tpu.memory_space<vmem>> -> memref<128xi32, #tpu.memory_space<vmem>>
      %dma_start3A_1137 = arith.constant 0 : i32
      %dma_start3A_1138 = arith.constant 0 : i32
      %dma_start3A_1139 = tpu.memref_slice %arg2[%dma_start3A_1137, %dma_start3A_1138] : memref<100000x128xf32, #tpu.memory_space<hbm>> -> memref<100000x128xf32, #tpu.memory_space<hbm>>
      tpu.enqueue_indirect_dma source(%dma_start3A_1139 : memref<100000x128xf32, #tpu.memory_space<hbm>>) target(%arg16 : memref<128x128xf32, #tpu.memory_space<vmem>>) offsets(%dma_start3A_1136 : memref<128xi32, #tpu.memory_space<vmem>>) semaphore(%arg22 : memref<!tpu.dma_semaphore, #tpu.memory_space<semaphore_mem>>)
      %mul3A_1140 = arith.constant 6 : i32
      %mul3A_1141 = arith.muli %mul3A_1140, %scan3A_903 : i32
      %add3A_1142 = arith.constant 3 : i32
      %add3A_1143 = arith.addi %mul3A_1141, %add3A_1142 : i32
      %add3A_1144 = arith.constant 2 : i32
      %add3A_1145 = arith.addi %add3A_1143, %add3A_1144 : i32
      %dma_wait3A_1146 = arith.constant 0 : i32
      %dma_wait3A_1147 = tpu.memref_slice %arg14[%dma_wait3A_1146] : memref<6528xi32, #tpu.memory_space<vmem>> -> memref<128xi32, #tpu.memory_space<vmem>>
      %dma_wait3A_1148 = arith.constant 0 : i32
      %dma_wait3A_1149 = arith.constant 0 : i32
      %dma_wait3A_1150 = tpu.memref_slice %arg2[%dma_wait3A_1148, %dma_wait3A_1149] : memref<100000x128xf32, #tpu.memory_space<hbm>> -> memref<100000x128xf32, #tpu.memory_space<hbm>>
      tpu.wait_indirect_dma semaphore(%arg26 : memref<!tpu.dma_semaphore, #tpu.memory_space<semaphore_mem>>) src(%dma_wait3A_1150 : memref<100000x128xf32, #tpu.memory_space<hbm>>) dst(%arg20 : memref<128x128xf32, #tpu.memory_space<vmem>>)
      %add3A_1151 = arith.addi %add3A_4, %add3A_1145 : i32
      %jit3A_1152 = arith.constant 8 : i32
      %div3A_1153 = arith.divsi %add3A_1151, %jit3A_1152 : i32
      %sign3A_1154 = arith.constant 0 : i32
      %sign3A_1155 = arith.cmpi sgt, %add3A_1151, %sign3A_1154 : i32
      %sign3A_1156 = arith.extui %sign3A_1155 : i1 to i32
      %sign3A_1157 = arith.constant 0 : i32
      %sign3A_1158 = arith.cmpi slt, %add3A_1151, %sign3A_1157 : i32
      %sign3A_1159 = arith.extui %sign3A_1158 : i1 to i32
      %sign3A_1160 = arith.subi %sign3A_1156, %sign3A_1159 : i32
      %sign3A_1161 = arith.constant 0 : i32
      %sign3A_1162 = arith.cmpi sgt, %jit3A_1152, %sign3A_1161 : i32
      %sign3A_1163 = arith.extui %sign3A_1162 : i1 to i32
      %sign3A_1164 = arith.constant 0 : i32
      %sign3A_1165 = arith.cmpi slt, %jit3A_1152, %sign3A_1164 : i32
      %sign3A_1166 = arith.extui %sign3A_1165 : i1 to i32
      %sign3A_1167 = arith.subi %sign3A_1163, %sign3A_1166 : i32
      %ne3A_1168 = arith.cmpi ne, %sign3A_1160, %sign3A_1167 : i32
      %rem3A_1169 = arith.remsi %add3A_1151, %jit3A_1152 : i32
      %ne3A_1170 = arith.constant 0 : i32
      %ne3A_1171 = arith.cmpi ne, %rem3A_1169, %ne3A_1170 : i32
      %and3A_1172 = arith.andi %ne3A_1168, %ne3A_1171 : i1
      %sub3A_1173 = arith.constant 1 : i32
      %sub3A_1174 = arith.subi %div3A_1153, %sub3A_1173 : i32
      %select_n3A_1175 = arith.select %and3A_1172, %sub3A_1174, %div3A_1153 : i32
      %jit3A_1176 = arith.constant 8 : i32
      %eq3A_1177 = arith.constant 0 : i32
      %eq3A_1178 = arith.cmpi eq, %jit3A_1176, %eq3A_1177 : i32
      %jit3A_1179 = arith.constant 1 : i32
      %select_n3A_1180 = arith.select %eq3A_1178, %jit3A_1179, %jit3A_1176 : i32
      %rem3A_1181 = arith.remsi %add3A_1151, %select_n3A_1180 : i32
      %ne3A_1182 = arith.constant 0 : i32
      %ne3A_1183 = arith.cmpi ne, %rem3A_1181, %ne3A_1182 : i32
      %lt3A_1184 = arith.constant 0 : i32
      %lt3A_1185 = arith.cmpi slt, %rem3A_1181, %lt3A_1184 : i32
      %lt3A_1186 = arith.constant 0 : i32
      %lt3A_1187 = arith.cmpi slt, %select_n3A_1180, %lt3A_1186 : i32
      %ne3A_1188 = arith.xori %lt3A_1185, %lt3A_1187 : i1
      %and3A_1189 = arith.andi %ne3A_1188, %ne3A_1183 : i1
      %add3A_1190 = arith.addi %rem3A_1181, %select_n3A_1180 : i32
      %select_n3A_1191 = arith.select %and3A_1189, %add3A_1190, %rem3A_1181 : i32
      %mul3A_1192 = arith.constant 128 : i32
      %mul3A_1193 = arith.muli %select_n3A_1191, %mul3A_1192 : i32
      %dma_start3A_1194 = arith.constant 0 : i32
      %dma_start3A_1195 = tpu.memref_slice %arg9[%select_n3A_1175, %mul3A_1193, %dma_start3A_1194] : memref<201x1024x128xf32, #tpu.memory_space<hbm>> -> memref<1x128x128xf32, #tpu.memory_space<hbm>>
      %dma_start3A_1196 = tpu.memref_squeeze %dma_start3A_1195 : memref<1x128x128xf32, #tpu.memory_space<hbm>> -> memref<128x128xf32, #tpu.memory_space<hbm>>
      %dma_start3A_1197 = arith.constant 0 : i32
      %dma_start3A_1198 = tpu.memref_slice %arg9[%select_n3A_1175, %mul3A_1193, %dma_start3A_1197] : memref<201x1024x128xf32, #tpu.memory_space<hbm>> -> memref<1x128x128xf32, #tpu.memory_space<hbm>>
      %dma_start3A_1199 = tpu.memref_squeeze %dma_start3A_1198 : memref<1x128x128xf32, #tpu.memory_space<hbm>> -> memref<128x128xf32, #tpu.memory_space<hbm>>
      tpu.enqueue_dma source(%arg20 : memref<128x128xf32, #tpu.memory_space<vmem>>) target(%dma_start3A_1199 : memref<128x128xf32, #tpu.memory_space<hbm>>) target_semaphore(%arg32 : memref<!tpu.dma_semaphore, #tpu.memory_space<semaphore_mem>>)
      %add3A_1200 = arith.constant 0 : i32
      %add3A_1201 = arith.addi %add3A_4, %add3A_1200 : i32
      %jit3A_1202 = arith.constant 8 : i32
      %div3A_1203 = arith.divsi %add3A_1201, %jit3A_1202 : i32
      %sign3A_1204 = arith.constant 0 : i32
      %sign3A_1205 = arith.cmpi sgt, %add3A_1201, %sign3A_1204 : i32
      %sign3A_1206 = arith.extui %sign3A_1205 : i1 to i32
      %sign3A_1207 = arith.constant 0 : i32
      %sign3A_1208 = arith.cmpi slt, %add3A_1201, %sign3A_1207 : i32
      %sign3A_1209 = arith.extui %sign3A_1208 : i1 to i32
      %sign3A_1210 = arith.subi %sign3A_1206, %sign3A_1209 : i32
      %sign3A_1211 = arith.constant 0 : i32
      %sign3A_1212 = arith.cmpi sgt, %jit3A_1202, %sign3A_1211 : i32
      %sign3A_1213 = arith.extui %sign3A_1212 : i1 to i32
      %sign3A_1214 = arith.constant 0 : i32
      %sign3A_1215 = arith.cmpi slt, %jit3A_1202, %sign3A_1214 : i32
      %sign3A_1216 = arith.extui %sign3A_1215 : i1 to i32
      %sign3A_1217 = arith.subi %sign3A_1213, %sign3A_1216 : i32
      %ne3A_1218 = arith.cmpi ne, %sign3A_1210, %sign3A_1217 : i32
      %rem3A_1219 = arith.remsi %add3A_1201, %jit3A_1202 : i32
      %ne3A_1220 = arith.constant 0 : i32
      %ne3A_1221 = arith.cmpi ne, %rem3A_1219, %ne3A_1220 : i32
      %and3A_1222 = arith.andi %ne3A_1218, %ne3A_1221 : i1
      %sub3A_1223 = arith.constant 1 : i32
      %sub3A_1224 = arith.subi %div3A_1203, %sub3A_1223 : i32
      %select_n3A_1225 = arith.select %and3A_1222, %sub3A_1224, %div3A_1203 : i32
      %jit3A_1226 = arith.constant 8 : i32
      %eq3A_1227 = arith.constant 0 : i32
      %eq3A_1228 = arith.cmpi eq, %jit3A_1226, %eq3A_1227 : i32
      %jit3A_1229 = arith.constant 1 : i32
      %select_n3A_1230 = arith.select %eq3A_1228, %jit3A_1229, %jit3A_1226 : i32
      %rem3A_1231 = arith.remsi %add3A_1201, %select_n3A_1230 : i32
      %ne3A_1232 = arith.constant 0 : i32
      %ne3A_1233 = arith.cmpi ne, %rem3A_1231, %ne3A_1232 : i32
      %lt3A_1234 = arith.constant 0 : i32
      %lt3A_1235 = arith.cmpi slt, %rem3A_1231, %lt3A_1234 : i32
      %lt3A_1236 = arith.constant 0 : i32
      %lt3A_1237 = arith.cmpi slt, %select_n3A_1230, %lt3A_1236 : i32
      %ne3A_1238 = arith.xori %lt3A_1235, %lt3A_1237 : i1
      %and3A_1239 = arith.andi %ne3A_1238, %ne3A_1233 : i1
      %add3A_1240 = arith.addi %rem3A_1231, %select_n3A_1230 : i32
      %select_n3A_1241 = arith.select %and3A_1239, %add3A_1240, %rem3A_1231 : i32
      %mul3A_1242 = arith.constant 128 : i32
      %mul3A_1243 = arith.muli %select_n3A_1241, %mul3A_1242 : i32
      %dma_wait3A_1244 = arith.constant 0 : i32
      %dma_wait3A_1245 = tpu.memref_slice %arg9[%select_n3A_1225, %mul3A_1243, %dma_wait3A_1244] : memref<201x1024x128xf32, #tpu.memory_space<hbm>> -> memref<1x128x128xf32, #tpu.memory_space<hbm>>
      %dma_wait3A_1246 = tpu.memref_squeeze %dma_wait3A_1245 : memref<1x128x128xf32, #tpu.memory_space<hbm>> -> memref<128x128xf32, #tpu.memory_space<hbm>>
      %dma_wait3A_1247 = arith.constant 0 : i32
      %dma_wait3A_1248 = tpu.memref_slice %arg9[%select_n3A_1225, %mul3A_1243, %dma_wait3A_1247] : memref<201x1024x128xf32, #tpu.memory_space<hbm>> -> memref<1x128x128xf32, #tpu.memory_space<hbm>>
      %dma_wait3A_1249 = tpu.memref_squeeze %dma_wait3A_1248 : memref<1x128x128xf32, #tpu.memory_space<hbm>> -> memref<128x128xf32, #tpu.memory_space<hbm>>
      tpu.wait_dma2 semaphore(%arg29 : memref<!tpu.dma_semaphore, #tpu.memory_space<semaphore_mem>>) src(%arg17 : memref<128x128xf32, #tpu.memory_space<vmem>>) dst(%dma_wait3A_1249 : memref<128x128xf32, #tpu.memory_space<hbm>>)
      %add3A_1250 = arith.constant 3 : i32
      %add3A_1251 = arith.addi %add3A_1145, %add3A_1250 : i32
      %mul3A_1252 = arith.constant 128 : i32
      %mul3A_1253 = arith.muli %add3A_1251, %mul3A_1252 : i32
      %dma_start3A_1254 = tpu.memref_slice %arg14[%mul3A_1253] : memref<6528xi32, #tpu.memory_space<vmem>> -> memref<128xi32, #tpu.memory_space<vmem>>
      %dma_start3A_1255 = arith.constant 0 : i32
      %dma_start3A_1256 = arith.constant 0 : i32
      %dma_start3A_1257 = tpu.memref_slice %arg2[%dma_start3A_1255, %dma_start3A_1256] : memref<100000x128xf32, #tpu.memory_space<hbm>> -> memref<100000x128xf32, #tpu.memory_space<hbm>>
      tpu.enqueue_indirect_dma source(%dma_start3A_1257 : memref<100000x128xf32, #tpu.memory_space<hbm>>) target(%arg17 : memref<128x128xf32, #tpu.memory_space<vmem>>) offsets(%dma_start3A_1254 : memref<128xi32, #tpu.memory_space<vmem>>) semaphore(%arg23 : memref<!tpu.dma_semaphore, #tpu.memory_space<semaphore_mem>>)
      %mul3A_1258 = arith.constant 6 : i32
      %mul3A_1259 = arith.muli %mul3A_1258, %scan3A_903 : i32
      %add3A_1260 = arith.constant 3 : i32
      %add3A_1261 = arith.addi %mul3A_1259, %add3A_1260 : i32
      %add3A_1262 = arith.constant 3 : i32
      %add3A_1263 = arith.addi %add3A_1261, %add3A_1262 : i32
      %dma_wait3A_1264 = arith.constant 0 : i32
      %dma_wait3A_1265 = tpu.memref_slice %arg14[%dma_wait3A_1264] : memref<6528xi32, #tpu.memory_space<vmem>> -> memref<128xi32, #tpu.memory_space<vmem>>
      %dma_wait3A_1266 = arith.constant 0 : i32
      %dma_wait3A_1267 = arith.constant 0 : i32
      %dma_wait3A_1268 = tpu.memref_slice %arg2[%dma_wait3A_1266, %dma_wait3A_1267] : memref<100000x128xf32, #tpu.memory_space<hbm>> -> memref<100000x128xf32, #tpu.memory_space<hbm>>
      tpu.wait_indirect_dma semaphore(%arg21 : memref<!tpu.dma_semaphore, #tpu.memory_space<semaphore_mem>>) src(%dma_wait3A_1268 : memref<100000x128xf32, #tpu.memory_space<hbm>>) dst(%arg15 : memref<128x128xf32, #tpu.memory_space<vmem>>)
      %add3A_1269 = arith.addi %add3A_4, %add3A_1263 : i32
      %jit3A_1270 = arith.constant 8 : i32
      %div3A_1271 = arith.divsi %add3A_1269, %jit3A_1270 : i32
      %sign3A_1272 = arith.constant 0 : i32
      %sign3A_1273 = arith.cmpi sgt, %add3A_1269, %sign3A_1272 : i32
      %sign3A_1274 = arith.extui %sign3A_1273 : i1 to i32
      %sign3A_1275 = arith.constant 0 : i32
      %sign3A_1276 = arith.cmpi slt, %add3A_1269, %sign3A_1275 : i32
      %sign3A_1277 = arith.extui %sign3A_1276 : i1 to i32
      %sign3A_1278 = arith.subi %sign3A_1274, %sign3A_1277 : i32
      %sign3A_1279 = arith.constant 0 : i32
      %sign3A_1280 = arith.cmpi sgt, %jit3A_1270, %sign3A_1279 : i32
      %sign3A_1281 = arith.extui %sign3A_1280 : i1 to i32
      %sign3A_1282 = arith.constant 0 : i32
      %sign3A_1283 = arith.cmpi slt, %jit3A_1270, %sign3A_1282 : i32
      %sign3A_1284 = arith.extui %sign3A_1283 : i1 to i32
      %sign3A_1285 = arith.subi %sign3A_1281, %sign3A_1284 : i32
      %ne3A_1286 = arith.cmpi ne, %sign3A_1278, %sign3A_1285 : i32
      %rem3A_1287 = arith.remsi %add3A_1269, %jit3A_1270 : i32
      %ne3A_1288 = arith.constant 0 : i32
      %ne3A_1289 = arith.cmpi ne, %rem3A_1287, %ne3A_1288 : i32
      %and3A_1290 = arith.andi %ne3A_1286, %ne3A_1289 : i1
      %sub3A_1291 = arith.constant 1 : i32
      %sub3A_1292 = arith.subi %div3A_1271, %sub3A_1291 : i32
      %select_n3A_1293 = arith.select %and3A_1290, %sub3A_1292, %div3A_1271 : i32
      %jit3A_1294 = arith.constant 8 : i32
      %eq3A_1295 = arith.constant 0 : i32
      %eq3A_1296 = arith.cmpi eq, %jit3A_1294, %eq3A_1295 : i32
      %jit3A_1297 = arith.constant 1 : i32
      %select_n3A_1298 = arith.select %eq3A_1296, %jit3A_1297, %jit3A_1294 : i32
      %rem3A_1299 = arith.remsi %add3A_1269, %select_n3A_1298 : i32
      %ne3A_1300 = arith.constant 0 : i32
      %ne3A_1301 = arith.cmpi ne, %rem3A_1299, %ne3A_1300 : i32
      %lt3A_1302 = arith.constant 0 : i32
      %lt3A_1303 = arith.cmpi slt, %rem3A_1299, %lt3A_1302 : i32
      %lt3A_1304 = arith.constant 0 : i32
      %lt3A_1305 = arith.cmpi slt, %select_n3A_1298, %lt3A_1304 : i32
      %ne3A_1306 = arith.xori %lt3A_1303, %lt3A_1305 : i1
      %and3A_1307 = arith.andi %ne3A_1306, %ne3A_1301 : i1
      %add3A_1308 = arith.addi %rem3A_1299, %select_n3A_1298 : i32
      %select_n3A_1309 = arith.select %and3A_1307, %add3A_1308, %rem3A_1299 : i32
      %mul3A_1310 = arith.constant 128 : i32
      %mul3A_1311 = arith.muli %select_n3A_1309, %mul3A_1310 : i32
      %dma_start3A_1312 = arith.constant 0 : i32
      %dma_start3A_1313 = tpu.memref_slice %arg9[%select_n3A_1293, %mul3A_1311, %dma_start3A_1312] : memref<201x1024x128xf32, #tpu.memory_space<hbm>> -> memref<1x128x128xf32, #tpu.memory_space<hbm>>
      %dma_start3A_1314 = tpu.memref_squeeze %dma_start3A_1313 : memref<1x128x128xf32, #tpu.memory_space<hbm>> -> memref<128x128xf32, #tpu.memory_space<hbm>>
      %dma_start3A_1315 = arith.constant 0 : i32
      %dma_start3A_1316 = tpu.memref_slice %arg9[%select_n3A_1293, %mul3A_1311, %dma_start3A_1315] : memref<201x1024x128xf32, #tpu.memory_space<hbm>> -> memref<1x128x128xf32, #tpu.memory_space<hbm>>
      %dma_start3A_1317 = tpu.memref_squeeze %dma_start3A_1316 : memref<1x128x128xf32, #tpu.memory_space<hbm>> -> memref<128x128xf32, #tpu.memory_space<hbm>>
      tpu.enqueue_dma source(%arg15 : memref<128x128xf32, #tpu.memory_space<vmem>>) target(%dma_start3A_1317 : memref<128x128xf32, #tpu.memory_space<hbm>>) target_semaphore(%arg27 : memref<!tpu.dma_semaphore, #tpu.memory_space<semaphore_mem>>)
      %add3A_1318 = arith.constant 0 : i32
      %add3A_1319 = arith.addi %add3A_4, %add3A_1318 : i32
      %jit3A_1320 = arith.constant 8 : i32
      %div3A_1321 = arith.divsi %add3A_1319, %jit3A_1320 : i32
      %sign3A_1322 = arith.constant 0 : i32
      %sign3A_1323 = arith.cmpi sgt, %add3A_1319, %sign3A_1322 : i32
      %sign3A_1324 = arith.extui %sign3A_1323 : i1 to i32
      %sign3A_1325 = arith.constant 0 : i32
      %sign3A_1326 = arith.cmpi slt, %add3A_1319, %sign3A_1325 : i32
      %sign3A_1327 = arith.extui %sign3A_1326 : i1 to i32
      %sign3A_1328 = arith.subi %sign3A_1324, %sign3A_1327 : i32
      %sign3A_1329 = arith.constant 0 : i32
      %sign3A_1330 = arith.cmpi sgt, %jit3A_1320, %sign3A_1329 : i32
      %sign3A_1331 = arith.extui %sign3A_1330 : i1 to i32
      %sign3A_1332 = arith.constant 0 : i32
      %sign3A_1333 = arith.cmpi slt, %jit3A_1320, %sign3A_1332 : i32
      %sign3A_1334 = arith.extui %sign3A_1333 : i1 to i32
      %sign3A_1335 = arith.subi %sign3A_1331, %sign3A_1334 : i32
      %ne3A_1336 = arith.cmpi ne, %sign3A_1328, %sign3A_1335 : i32
      %rem3A_1337 = arith.remsi %add3A_1319, %jit3A_1320 : i32
      %ne3A_1338 = arith.constant 0 : i32
      %ne3A_1339 = arith.cmpi ne, %rem3A_1337, %ne3A_1338 : i32
      %and3A_1340 = arith.andi %ne3A_1336, %ne3A_1339 : i1
      %sub3A_1341 = arith.constant 1 : i32
      %sub3A_1342 = arith.subi %div3A_1321, %sub3A_1341 : i32
      %select_n3A_1343 = arith.select %and3A_1340, %sub3A_1342, %div3A_1321 : i32
      %jit3A_1344 = arith.constant 8 : i32
      %eq3A_1345 = arith.constant 0 : i32
      %eq3A_1346 = arith.cmpi eq, %jit3A_1344, %eq3A_1345 : i32
      %jit3A_1347 = arith.constant 1 : i32
      %select_n3A_1348 = arith.select %eq3A_1346, %jit3A_1347, %jit3A_1344 : i32
      %rem3A_1349 = arith.remsi %add3A_1319, %select_n3A_1348 : i32
      %ne3A_1350 = arith.constant 0 : i32
      %ne3A_1351 = arith.cmpi ne, %rem3A_1349, %ne3A_1350 : i32
      %lt3A_1352 = arith.constant 0 : i32
      %lt3A_1353 = arith.cmpi slt, %rem3A_1349, %lt3A_1352 : i32
      %lt3A_1354 = arith.constant 0 : i32
      %lt3A_1355 = arith.cmpi slt, %select_n3A_1348, %lt3A_1354 : i32
      %ne3A_1356 = arith.xori %lt3A_1353, %lt3A_1355 : i1
      %and3A_1357 = arith.andi %ne3A_1356, %ne3A_1351 : i1
      %add3A_1358 = arith.addi %rem3A_1349, %select_n3A_1348 : i32
      %select_n3A_1359 = arith.select %and3A_1357, %add3A_1358, %rem3A_1349 : i32
      %mul3A_1360 = arith.constant 128 : i32
      %mul3A_1361 = arith.muli %select_n3A_1359, %mul3A_1360 : i32
      %dma_wait3A_1362 = arith.constant 0 : i32
      %dma_wait3A_1363 = tpu.memref_slice %arg9[%select_n3A_1343, %mul3A_1361, %dma_wait3A_1362] : memref<201x1024x128xf32, #tpu.memory_space<hbm>> -> memref<1x128x128xf32, #tpu.memory_space<hbm>>
      %dma_wait3A_1364 = tpu.memref_squeeze %dma_wait3A_1363 : memref<1x128x128xf32, #tpu.memory_space<hbm>> -> memref<128x128xf32, #tpu.memory_space<hbm>>
      %dma_wait3A_1365 = arith.constant 0 : i32
      %dma_wait3A_1366 = tpu.memref_slice %arg9[%select_n3A_1343, %mul3A_1361, %dma_wait3A_1365] : memref<201x1024x128xf32, #tpu.memory_space<hbm>> -> memref<1x128x128xf32, #tpu.memory_space<hbm>>
      %dma_wait3A_1367 = tpu.memref_squeeze %dma_wait3A_1366 : memref<1x128x128xf32, #tpu.memory_space<hbm>> -> memref<128x128xf32, #tpu.memory_space<hbm>>
      tpu.wait_dma2 semaphore(%arg30 : memref<!tpu.dma_semaphore, #tpu.memory_space<semaphore_mem>>) src(%arg18 : memref<128x128xf32, #tpu.memory_space<vmem>>) dst(%dma_wait3A_1367 : memref<128x128xf32, #tpu.memory_space<hbm>>)
      %add3A_1368 = arith.constant 3 : i32
      %add3A_1369 = arith.addi %add3A_1263, %add3A_1368 : i32
      %mul3A_1370 = arith.constant 128 : i32
      %mul3A_1371 = arith.muli %add3A_1369, %mul3A_1370 : i32
      %dma_start3A_1372 = tpu.memref_slice %arg14[%mul3A_1371] : memref<6528xi32, #tpu.memory_space<vmem>> -> memref<128xi32, #tpu.memory_space<vmem>>
      %dma_start3A_1373 = arith.constant 0 : i32
      %dma_start3A_1374 = arith.constant 0 : i32
      %dma_start3A_1375 = tpu.memref_slice %arg2[%dma_start3A_1373, %dma_start3A_1374] : memref<100000x128xf32, #tpu.memory_space<hbm>> -> memref<100000x128xf32, #tpu.memory_space<hbm>>
      tpu.enqueue_indirect_dma source(%dma_start3A_1375 : memref<100000x128xf32, #tpu.memory_space<hbm>>) target(%arg18 : memref<128x128xf32, #tpu.memory_space<vmem>>) offsets(%dma_start3A_1372 : memref<128xi32, #tpu.memory_space<vmem>>) semaphore(%arg24 : memref<!tpu.dma_semaphore, #tpu.memory_space<semaphore_mem>>)
      %mul3A_1376 = arith.constant 6 : i32
      %mul3A_1377 = arith.muli %mul3A_1376, %scan3A_903 : i32
      %add3A_1378 = arith.constant 3 : i32
      %add3A_1379 = arith.addi %mul3A_1377, %add3A_1378 : i32
      %add3A_1380 = arith.constant 4 : i32
      %add3A_1381 = arith.addi %add3A_1379, %add3A_1380 : i32
      %dma_wait3A_1382 = arith.constant 0 : i32
      %dma_wait3A_1383 = tpu.memref_slice %arg14[%dma_wait3A_1382] : memref<6528xi32, #tpu.memory_space<vmem>> -> memref<128xi32, #tpu.memory_space<vmem>>
      %dma_wait3A_1384 = arith.constant 0 : i32
      %dma_wait3A_1385 = arith.constant 0 : i32
      %dma_wait3A_1386 = tpu.memref_slice %arg2[%dma_wait3A_1384, %dma_wait3A_1385] : memref<100000x128xf32, #tpu.memory_space<hbm>> -> memref<100000x128xf32, #tpu.memory_space<hbm>>
      tpu.wait_indirect_dma semaphore(%arg22 : memref<!tpu.dma_semaphore, #tpu.memory_space<semaphore_mem>>) src(%dma_wait3A_1386 : memref<100000x128xf32, #tpu.memory_space<hbm>>) dst(%arg16 : memref<128x128xf32, #tpu.memory_space<vmem>>)
      %add3A_1387 = arith.addi %add3A_4, %add3A_1381 : i32
      %jit3A_1388 = arith.constant 8 : i32
      %div3A_1389 = arith.divsi %add3A_1387, %jit3A_1388 : i32
      %sign3A_1390 = arith.constant 0 : i32
      %sign3A_1391 = arith.cmpi sgt, %add3A_1387, %sign3A_1390 : i32
      %sign3A_1392 = arith.extui %sign3A_1391 : i1 to i32
      %sign3A_1393 = arith.constant 0 : i32
      %sign3A_1394 = arith.cmpi slt, %add3A_1387, %sign3A_1393 : i32
      %sign3A_1395 = arith.extui %sign3A_1394 : i1 to i32
      %sign3A_1396 = arith.subi %sign3A_1392, %sign3A_1395 : i32
      %sign3A_1397 = arith.constant 0 : i32
      %sign3A_1398 = arith.cmpi sgt, %jit3A_1388, %sign3A_1397 : i32
      %sign3A_1399 = arith.extui %sign3A_1398 : i1 to i32
      %sign3A_1400 = arith.constant 0 : i32
      %sign3A_1401 = arith.cmpi slt, %jit3A_1388, %sign3A_1400 : i32
      %sign3A_1402 = arith.extui %sign3A_1401 : i1 to i32
      %sign3A_1403 = arith.subi %sign3A_1399, %sign3A_1402 : i32
      %ne3A_1404 = arith.cmpi ne, %sign3A_1396, %sign3A_1403 : i32
      %rem3A_1405 = arith.remsi %add3A_1387, %jit3A_1388 : i32
      %ne3A_1406 = arith.constant 0 : i32
      %ne3A_1407 = arith.cmpi ne, %rem3A_1405, %ne3A_1406 : i32
      %and3A_1408 = arith.andi %ne3A_1404, %ne3A_1407 : i1
      %sub3A_1409 = arith.constant 1 : i32
      %sub3A_1410 = arith.subi %div3A_1389, %sub3A_1409 : i32
      %select_n3A_1411 = arith.select %and3A_1408, %sub3A_1410, %div3A_1389 : i32
      %jit3A_1412 = arith.constant 8 : i32
      %eq3A_1413 = arith.constant 0 : i32
      %eq3A_1414 = arith.cmpi eq, %jit3A_1412, %eq3A_1413 : i32
      %jit3A_1415 = arith.constant 1 : i32
      %select_n3A_1416 = arith.select %eq3A_1414, %jit3A_1415, %jit3A_1412 : i32
      %rem3A_1417 = arith.remsi %add3A_1387, %select_n3A_1416 : i32
      %ne3A_1418 = arith.constant 0 : i32
      %ne3A_1419 = arith.cmpi ne, %rem3A_1417, %ne3A_1418 : i32
      %lt3A_1420 = arith.constant 0 : i32
      %lt3A_1421 = arith.cmpi slt, %rem3A_1417, %lt3A_1420 : i32
      %lt3A_1422 = arith.constant 0 : i32
      %lt3A_1423 = arith.cmpi slt, %select_n3A_1416, %lt3A_1422 : i32
      %ne3A_1424 = arith.xori %lt3A_1421, %lt3A_1423 : i1
      %and3A_1425 = arith.andi %ne3A_1424, %ne3A_1419 : i1
      %add3A_1426 = arith.addi %rem3A_1417, %select_n3A_1416 : i32
      %select_n3A_1427 = arith.select %and3A_1425, %add3A_1426, %rem3A_1417 : i32
      %mul3A_1428 = arith.constant 128 : i32
      %mul3A_1429 = arith.muli %select_n3A_1427, %mul3A_1428 : i32
      %dma_start3A_1430 = arith.constant 0 : i32
      %dma_start3A_1431 = tpu.memref_slice %arg9[%select_n3A_1411, %mul3A_1429, %dma_start3A_1430] : memref<201x1024x128xf32, #tpu.memory_space<hbm>> -> memref<1x128x128xf32, #tpu.memory_space<hbm>>
      %dma_start3A_1432 = tpu.memref_squeeze %dma_start3A_1431 : memref<1x128x128xf32, #tpu.memory_space<hbm>> -> memref<128x128xf32, #tpu.memory_space<hbm>>
      %dma_start3A_1433 = arith.constant 0 : i32
      %dma_start3A_1434 = tpu.memref_slice %arg9[%select_n3A_1411, %mul3A_1429, %dma_start3A_1433] : memref<201x1024x128xf32, #tpu.memory_space<hbm>> -> memref<1x128x128xf32, #tpu.memory_space<hbm>>
      %dma_start3A_1435 = tpu.memref_squeeze %dma_start3A_1434 : memref<1x128x128xf32, #tpu.memory_space<hbm>> -> memref<128x128xf32, #tpu.memory_space<hbm>>
      tpu.enqueue_dma source(%arg16 : memref<128x128xf32, #tpu.memory_space<vmem>>) target(%dma_start3A_1435 : memref<128x128xf32, #tpu.memory_space<hbm>>) target_semaphore(%arg28 : memref<!tpu.dma_semaphore, #tpu.memory_space<semaphore_mem>>)
      %add3A_1436 = arith.constant 0 : i32
      %add3A_1437 = arith.addi %add3A_4, %add3A_1436 : i32
      %jit3A_1438 = arith.constant 8 : i32
      %div3A_1439 = arith.divsi %add3A_1437, %jit3A_1438 : i32
      %sign3A_1440 = arith.constant 0 : i32
      %sign3A_1441 = arith.cmpi sgt, %add3A_1437, %sign3A_1440 : i32
      %sign3A_1442 = arith.extui %sign3A_1441 : i1 to i32
      %sign3A_1443 = arith.constant 0 : i32
      %sign3A_1444 = arith.cmpi slt, %add3A_1437, %sign3A_1443 : i32
      %sign3A_1445 = arith.extui %sign3A_1444 : i1 to i32
      %sign3A_1446 = arith.subi %sign3A_1442, %sign3A_1445 : i32
      %sign3A_1447 = arith.constant 0 : i32
      %sign3A_1448 = arith.cmpi sgt, %jit3A_1438, %sign3A_1447 : i32
      %sign3A_1449 = arith.extui %sign3A_1448 : i1 to i32
      %sign3A_1450 = arith.constant 0 : i32
      %sign3A_1451 = arith.cmpi slt, %jit3A_1438, %sign3A_1450 : i32
      %sign3A_1452 = arith.extui %sign3A_1451 : i1 to i32
      %sign3A_1453 = arith.subi %sign3A_1449, %sign3A_1452 : i32
      %ne3A_1454 = arith.cmpi ne, %sign3A_1446, %sign3A_1453 : i32
      %rem3A_1455 = arith.remsi %add3A_1437, %jit3A_1438 : i32
      %ne3A_1456 = arith.constant 0 : i32
      %ne3A_1457 = arith.cmpi ne, %rem3A_1455, %ne3A_1456 : i32
      %and3A_1458 = arith.andi %ne3A_1454, %ne3A_1457 : i1
      %sub3A_1459 = arith.constant 1 : i32
      %sub3A_1460 = arith.subi %div3A_1439, %sub3A_1459 : i32
      %select_n3A_1461 = arith.select %and3A_1458, %sub3A_1460, %div3A_1439 : i32
      %jit3A_1462 = arith.constant 8 : i32
      %eq3A_1463 = arith.constant 0 : i32
      %eq3A_1464 = arith.cmpi eq, %jit3A_1462, %eq3A_1463 : i32
      %jit3A_1465 = arith.constant 1 : i32
      %select_n3A_1466 = arith.select %eq3A_1464, %jit3A_1465, %jit3A_1462 : i32
      %rem3A_1467 = arith.remsi %add3A_1437, %select_n3A_1466 : i32
      %ne3A_1468 = arith.constant 0 : i32
      %ne3A_1469 = arith.cmpi ne, %rem3A_1467, %ne3A_1468 : i32
      %lt3A_1470 = arith.constant 0 : i32
      %lt3A_1471 = arith.cmpi slt, %rem3A_1467, %lt3A_1470 : i32
      %lt3A_1472 = arith.constant 0 : i32
      %lt3A_1473 = arith.cmpi slt, %select_n3A_1466, %lt3A_1472 : i32
      %ne3A_1474 = arith.xori %lt3A_1471, %lt3A_1473 : i1
      %and3A_1475 = arith.andi %ne3A_1474, %ne3A_1469 : i1
      %add3A_1476 = arith.addi %rem3A_1467, %select_n3A_1466 : i32
      %select_n3A_1477 = arith.select %and3A_1475, %add3A_1476, %rem3A_1467 : i32
      %mul3A_1478 = arith.constant 128 : i32
      %mul3A_1479 = arith.muli %select_n3A_1477, %mul3A_1478 : i32
      %dma_wait3A_1480 = arith.constant 0 : i32
      %dma_wait3A_1481 = tpu.memref_slice %arg9[%select_n3A_1461, %mul3A_1479, %dma_wait3A_1480] : memref<201x1024x128xf32, #tpu.memory_space<hbm>> -> memref<1x128x128xf32, #tpu.memory_space<hbm>>
      %dma_wait3A_1482 = tpu.memref_squeeze %dma_wait3A_1481 : memref<1x128x128xf32, #tpu.memory_space<hbm>> -> memref<128x128xf32, #tpu.memory_space<hbm>>
      %dma_wait3A_1483 = arith.constant 0 : i32
      %dma_wait3A_1484 = tpu.memref_slice %arg9[%select_n3A_1461, %mul3A_1479, %dma_wait3A_1483] : memref<201x1024x128xf32, #tpu.memory_space<hbm>> -> memref<1x128x128xf32, #tpu.memory_space<hbm>>
      %dma_wait3A_1485 = tpu.memref_squeeze %dma_wait3A_1484 : memref<1x128x128xf32, #tpu.memory_space<hbm>> -> memref<128x128xf32, #tpu.memory_space<hbm>>
      tpu.wait_dma2 semaphore(%arg31 : memref<!tpu.dma_semaphore, #tpu.memory_space<semaphore_mem>>) src(%arg19 : memref<128x128xf32, #tpu.memory_space<vmem>>) dst(%dma_wait3A_1485 : memref<128x128xf32, #tpu.memory_space<hbm>>)
      %add3A_1486 = arith.constant 3 : i32
      %add3A_1487 = arith.addi %add3A_1381, %add3A_1486 : i32
      %mul3A_1488 = arith.constant 128 : i32
      %mul3A_1489 = arith.muli %add3A_1487, %mul3A_1488 : i32
      %dma_start3A_1490 = tpu.memref_slice %arg14[%mul3A_1489] : memref<6528xi32, #tpu.memory_space<vmem>> -> memref<128xi32, #tpu.memory_space<vmem>>
      %dma_start3A_1491 = arith.constant 0 : i32
      %dma_start3A_1492 = arith.constant 0 : i32
      %dma_start3A_1493 = tpu.memref_slice %arg2[%dma_start3A_1491, %dma_start3A_1492] : memref<100000x128xf32, #tpu.memory_space<hbm>> -> memref<100000x128xf32, #tpu.memory_space<hbm>>
      tpu.enqueue_indirect_dma source(%dma_start3A_1493 : memref<100000x128xf32, #tpu.memory_space<hbm>>) target(%arg19 : memref<128x128xf32, #tpu.memory_space<vmem>>) offsets(%dma_start3A_1490 : memref<128xi32, #tpu.memory_space<vmem>>) semaphore(%arg25 : memref<!tpu.dma_semaphore, #tpu.memory_space<semaphore_mem>>)
      %mul3A_1494 = arith.constant 6 : i32
      %mul3A_1495 = arith.muli %mul3A_1494, %scan3A_903 : i32
      %add3A_1496 = arith.constant 3 : i32
      %add3A_1497 = arith.addi %mul3A_1495, %add3A_1496 : i32
      %add3A_1498 = arith.constant 5 : i32
      %add3A_1499 = arith.addi %add3A_1497, %add3A_1498 : i32
      %dma_wait3A_1500 = arith.constant 0 : i32
      %dma_wait3A_1501 = tpu.memref_slice %arg14[%dma_wait3A_1500] : memref<6528xi32, #tpu.memory_space<vmem>> -> memref<128xi32, #tpu.memory_space<vmem>>
      %dma_wait3A_1502 = arith.constant 0 : i32
      %dma_wait3A_1503 = arith.constant 0 : i32
      %dma_wait3A_1504 = tpu.memref_slice %arg2[%dma_wait3A_1502, %dma_wait3A_1503] : memref<100000x128xf32, #tpu.memory_space<hbm>> -> memref<100000x128xf32, #tpu.memory_space<hbm>>
      tpu.wait_indirect_dma semaphore(%arg23 : memref<!tpu.dma_semaphore, #tpu.memory_space<semaphore_mem>>) src(%dma_wait3A_1504 : memref<100000x128xf32, #tpu.memory_space<hbm>>) dst(%arg17 : memref<128x128xf32, #tpu.memory_space<vmem>>)
      %add3A_1505 = arith.addi %add3A_4, %add3A_1499 : i32
      %jit3A_1506 = arith.constant 8 : i32
      %div3A_1507 = arith.divsi %add3A_1505, %jit3A_1506 : i32
      %sign3A_1508 = arith.constant 0 : i32
      %sign3A_1509 = arith.cmpi sgt, %add3A_1505, %sign3A_1508 : i32
      %sign3A_1510 = arith.extui %sign3A_1509 : i1 to i32
      %sign3A_1511 = arith.constant 0 : i32
      %sign3A_1512 = arith.cmpi slt, %add3A_1505, %sign3A_1511 : i32
      %sign3A_1513 = arith.extui %sign3A_1512 : i1 to i32
      %sign3A_1514 = arith.subi %sign3A_1510, %sign3A_1513 : i32
      %sign3A_1515 = arith.constant 0 : i32
      %sign3A_1516 = arith.cmpi sgt, %jit3A_1506, %sign3A_1515 : i32
      %sign3A_1517 = arith.extui %sign3A_1516 : i1 to i32
      %sign3A_1518 = arith.constant 0 : i32
      %sign3A_1519 = arith.cmpi slt, %jit3A_1506, %sign3A_1518 : i32
      %sign3A_1520 = arith.extui %sign3A_1519 : i1 to i32
      %sign3A_1521 = arith.subi %sign3A_1517, %sign3A_1520 : i32
      %ne3A_1522 = arith.cmpi ne, %sign3A_1514, %sign3A_1521 : i32
      %rem3A_1523 = arith.remsi %add3A_1505, %jit3A_1506 : i32
      %ne3A_1524 = arith.constant 0 : i32
      %ne3A_1525 = arith.cmpi ne, %rem3A_1523, %ne3A_1524 : i32
      %and3A_1526 = arith.andi %ne3A_1522, %ne3A_1525 : i1
      %sub3A_1527 = arith.constant 1 : i32
      %sub3A_1528 = arith.subi %div3A_1507, %sub3A_1527 : i32
      %select_n3A_1529 = arith.select %and3A_1526, %sub3A_1528, %div3A_1507 : i32
      %jit3A_1530 = arith.constant 8 : i32
      %eq3A_1531 = arith.constant 0 : i32
      %eq3A_1532 = arith.cmpi eq, %jit3A_1530, %eq3A_1531 : i32
      %jit3A_1533 = arith.constant 1 : i32
      %select_n3A_1534 = arith.select %eq3A_1532, %jit3A_1533, %jit3A_1530 : i32
      %rem3A_1535 = arith.remsi %add3A_1505, %select_n3A_1534 : i32
      %ne3A_1536 = arith.constant 0 : i32
      %ne3A_1537 = arith.cmpi ne, %rem3A_1535, %ne3A_1536 : i32
      %lt3A_1538 = arith.constant 0 : i32
      %lt3A_1539 = arith.cmpi slt, %rem3A_1535, %lt3A_1538 : i32
      %lt3A_1540 = arith.constant 0 : i32
      %lt3A_1541 = arith.cmpi slt, %select_n3A_1534, %lt3A_1540 : i32
      %ne3A_1542 = arith.xori %lt3A_1539, %lt3A_1541 : i1
      %and3A_1543 = arith.andi %ne3A_1542, %ne3A_1537 : i1
      %add3A_1544 = arith.addi %rem3A_1535, %select_n3A_1534 : i32
      %select_n3A_1545 = arith.select %and3A_1543, %add3A_1544, %rem3A_1535 : i32
      %mul3A_1546 = arith.constant 128 : i32
      %mul3A_1547 = arith.muli %select_n3A_1545, %mul3A_1546 : i32
      %dma_start3A_1548 = arith.constant 0 : i32
      %dma_start3A_1549 = tpu.memref_slice %arg9[%select_n3A_1529, %mul3A_1547, %dma_start3A_1548] : memref<201x1024x128xf32, #tpu.memory_space<hbm>> -> memref<1x128x128xf32, #tpu.memory_space<hbm>>
      %dma_start3A_1550 = tpu.memref_squeeze %dma_start3A_1549 : memref<1x128x128xf32, #tpu.memory_space<hbm>> -> memref<128x128xf32, #tpu.memory_space<hbm>>
      %dma_start3A_1551 = arith.constant 0 : i32
      %dma_start3A_1552 = tpu.memref_slice %arg9[%select_n3A_1529, %mul3A_1547, %dma_start3A_1551] : memref<201x1024x128xf32, #tpu.memory_space<hbm>> -> memref<1x128x128xf32, #tpu.memory_space<hbm>>
      %dma_start3A_1553 = tpu.memref_squeeze %dma_start3A_1552 : memref<1x128x128xf32, #tpu.memory_space<hbm>> -> memref<128x128xf32, #tpu.memory_space<hbm>>
      tpu.enqueue_dma source(%arg17 : memref<128x128xf32, #tpu.memory_space<vmem>>) target(%dma_start3A_1553 : memref<128x128xf32, #tpu.memory_space<hbm>>) target_semaphore(%arg29 : memref<!tpu.dma_semaphore, #tpu.memory_space<semaphore_mem>>)
      %add3A_1554 = arith.constant 0 : i32
      %add3A_1555 = arith.addi %add3A_4, %add3A_1554 : i32
      %jit3A_1556 = arith.constant 8 : i32
      %div3A_1557 = arith.divsi %add3A_1555, %jit3A_1556 : i32
      %sign3A_1558 = arith.constant 0 : i32
      %sign3A_1559 = arith.cmpi sgt, %add3A_1555, %sign3A_1558 : i32
      %sign3A_1560 = arith.extui %sign3A_1559 : i1 to i32
      %sign3A_1561 = arith.constant 0 : i32
      %sign3A_1562 = arith.cmpi slt, %add3A_1555, %sign3A_1561 : i32
      %sign3A_1563 = arith.extui %sign3A_1562 : i1 to i32
      %sign3A_1564 = arith.subi %sign3A_1560, %sign3A_1563 : i32
      %sign3A_1565 = arith.constant 0 : i32
      %sign3A_1566 = arith.cmpi sgt, %jit3A_1556, %sign3A_1565 : i32
      %sign3A_1567 = arith.extui %sign3A_1566 : i1 to i32
      %sign3A_1568 = arith.constant 0 : i32
      %sign3A_1569 = arith.cmpi slt, %jit3A_1556, %sign3A_1568 : i32
      %sign3A_1570 = arith.extui %sign3A_1569 : i1 to i32
      %sign3A_1571 = arith.subi %sign3A_1567, %sign3A_1570 : i32
      %ne3A_1572 = arith.cmpi ne, %sign3A_1564, %sign3A_1571 : i32
      %rem3A_1573 = arith.remsi %add3A_1555, %jit3A_1556 : i32
      %ne3A_1574 = arith.constant 0 : i32
      %ne3A_1575 = arith.cmpi ne, %rem3A_1573, %ne3A_1574 : i32
      %and3A_1576 = arith.andi %ne3A_1572, %ne3A_1575 : i1
      %sub3A_1577 = arith.constant 1 : i32
      %sub3A_1578 = arith.subi %div3A_1557, %sub3A_1577 : i32
      %select_n3A_1579 = arith.select %and3A_1576, %sub3A_1578, %div3A_1557 : i32
      %jit3A_1580 = arith.constant 8 : i32
      %eq3A_1581 = arith.constant 0 : i32
      %eq3A_1582 = arith.cmpi eq, %jit3A_1580, %eq3A_1581 : i32
      %jit3A_1583 = arith.constant 1 : i32
      %select_n3A_1584 = arith.select %eq3A_1582, %jit3A_1583, %jit3A_1580 : i32
      %rem3A_1585 = arith.remsi %add3A_1555, %select_n3A_1584 : i32
      %ne3A_1586 = arith.constant 0 : i32
      %ne3A_1587 = arith.cmpi ne, %rem3A_1585, %ne3A_1586 : i32
      %lt3A_1588 = arith.constant 0 : i32
      %lt3A_1589 = arith.cmpi slt, %rem3A_1585, %lt3A_1588 : i32
      %lt3A_1590 = arith.constant 0 : i32
      %lt3A_1591 = arith.cmpi slt, %select_n3A_1584, %lt3A_1590 : i32
      %ne3A_1592 = arith.xori %lt3A_1589, %lt3A_1591 : i1
      %and3A_1593 = arith.andi %ne3A_1592, %ne3A_1587 : i1
      %add3A_1594 = arith.addi %rem3A_1585, %select_n3A_1584 : i32
      %select_n3A_1595 = arith.select %and3A_1593, %add3A_1594, %rem3A_1585 : i32
      %mul3A_1596 = arith.constant 128 : i32
      %mul3A_1597 = arith.muli %select_n3A_1595, %mul3A_1596 : i32
      %dma_wait3A_1598 = arith.constant 0 : i32
      %dma_wait3A_1599 = tpu.memref_slice %arg9[%select_n3A_1579, %mul3A_1597, %dma_wait3A_1598] : memref<201x1024x128xf32, #tpu.memory_space<hbm>> -> memref<1x128x128xf32, #tpu.memory_space<hbm>>
      %dma_wait3A_1600 = tpu.memref_squeeze %dma_wait3A_1599 : memref<1x128x128xf32, #tpu.memory_space<hbm>> -> memref<128x128xf32, #tpu.memory_space<hbm>>
      %dma_wait3A_1601 = arith.constant 0 : i32
      %dma_wait3A_1602 = tpu.memref_slice %arg9[%select_n3A_1579, %mul3A_1597, %dma_wait3A_1601] : memref<201x1024x128xf32, #tpu.memory_space<hbm>> -> memref<1x128x128xf32, #tpu.memory_space<hbm>>
      %dma_wait3A_1603 = tpu.memref_squeeze %dma_wait3A_1602 : memref<1x128x128xf32, #tpu.memory_space<hbm>> -> memref<128x128xf32, #tpu.memory_space<hbm>>
      tpu.wait_dma2 semaphore(%arg32 : memref<!tpu.dma_semaphore, #tpu.memory_space<semaphore_mem>>) src(%arg20 : memref<128x128xf32, #tpu.memory_space<vmem>>) dst(%dma_wait3A_1603 : memref<128x128xf32, #tpu.memory_space<hbm>>)
      %add3A_1604 = arith.constant 3 : i32
      %add3A_1605 = arith.addi %add3A_1499, %add3A_1604 : i32
      %mul3A_1606 = arith.constant 128 : i32
      %mul3A_1607 = arith.muli %add3A_1605, %mul3A_1606 : i32
      %dma_start3A_1608 = tpu.memref_slice %arg14[%mul3A_1607] : memref<6528xi32, #tpu.memory_space<vmem>> -> memref<128xi32, #tpu.memory_space<vmem>>
      %dma_start3A_1609 = arith.constant 0 : i32
      %dma_start3A_1610 = arith.constant 0 : i32
      %dma_start3A_1611 = tpu.memref_slice %arg2[%dma_start3A_1609, %dma_start3A_1610] : memref<100000x128xf32, #tpu.memory_space<hbm>> -> memref<100000x128xf32, #tpu.memory_space<hbm>>
      tpu.enqueue_indirect_dma source(%dma_start3A_1611 : memref<100000x128xf32, #tpu.memory_space<hbm>>) target(%arg20 : memref<128x128xf32, #tpu.memory_space<vmem>>) offsets(%dma_start3A_1608 : memref<128xi32, #tpu.memory_space<vmem>>) semaphore(%arg26 : memref<!tpu.dma_semaphore, #tpu.memory_space<semaphore_mem>>)
    }
    %scan3A_208 = arith.constant 7 : i32
    %dma_wait3A_209 = arith.constant 0 : i32
    %dma_wait3A_210 = tpu.memref_slice %arg14[%dma_wait3A_209] : memref<6528xi32, #tpu.memory_space<vmem>> -> memref<128xi32, #tpu.memory_space<vmem>>
    %dma_wait3A_211 = arith.constant 0 : i32
    %dma_wait3A_212 = arith.constant 0 : i32
    %dma_wait3A_213 = tpu.memref_slice %arg2[%dma_wait3A_211, %dma_wait3A_212] : memref<100000x128xf32, #tpu.memory_space<hbm>> -> memref<100000x128xf32, #tpu.memory_space<hbm>>
    tpu.wait_indirect_dma semaphore(%arg24 : memref<!tpu.dma_semaphore, #tpu.memory_space<semaphore_mem>>) src(%dma_wait3A_213 : memref<100000x128xf32, #tpu.memory_space<hbm>>) dst(%arg18 : memref<128x128xf32, #tpu.memory_space<vmem>>)
    %add3A_214 = arith.constant 45 : i32
    %add3A_215 = arith.addi %add3A_4, %add3A_214 : i32
    %jit3A_216 = arith.constant 8 : i32
    %div3A_217 = arith.divsi %add3A_215, %jit3A_216 : i32
    %sign3A_218 = arith.constant 0 : i32
    %sign3A_219 = arith.cmpi sgt, %add3A_215, %sign3A_218 : i32
    %sign3A_220 = arith.extui %sign3A_219 : i1 to i32
    %sign3A_221 = arith.constant 0 : i32
    %sign3A_222 = arith.cmpi slt, %add3A_215, %sign3A_221 : i32
    %sign3A_223 = arith.extui %sign3A_222 : i1 to i32
    %sign3A_224 = arith.subi %sign3A_220, %sign3A_223 : i32
    %sign3A_225 = arith.constant 0 : i32
    %sign3A_226 = arith.cmpi sgt, %jit3A_216, %sign3A_225 : i32
    %sign3A_227 = arith.extui %sign3A_226 : i1 to i32
    %sign3A_228 = arith.constant 0 : i32
    %sign3A_229 = arith.cmpi slt, %jit3A_216, %sign3A_228 : i32
    %sign3A_230 = arith.extui %sign3A_229 : i1 to i32
    %sign3A_231 = arith.subi %sign3A_227, %sign3A_230 : i32
    %ne3A_232 = arith.cmpi ne, %sign3A_224, %sign3A_231 : i32
    %rem3A_233 = arith.remsi %add3A_215, %jit3A_216 : i32
    %ne3A_234 = arith.constant 0 : i32
    %ne3A_235 = arith.cmpi ne, %rem3A_233, %ne3A_234 : i32
    %and3A_236 = arith.andi %ne3A_232, %ne3A_235 : i1
    %sub3A_237 = arith.constant 1 : i32
    %sub3A_238 = arith.subi %div3A_217, %sub3A_237 : i32
    %select_n3A_239 = arith.select %and3A_236, %sub3A_238, %div3A_217 : i32
    %jit3A_240 = arith.constant 8 : i32
    %eq3A_241 = arith.constant 0 : i32
    %eq3A_242 = arith.cmpi eq, %jit3A_240, %eq3A_241 : i32
    %jit3A_243 = arith.constant 1 : i32
    %select_n3A_244 = arith.select %eq3A_242, %jit3A_243, %jit3A_240 : i32
    %rem3A_245 = arith.remsi %add3A_215, %select_n3A_244 : i32
    %ne3A_246 = arith.constant 0 : i32
    %ne3A_247 = arith.cmpi ne, %rem3A_245, %ne3A_246 : i32
    %lt3A_248 = arith.constant 0 : i32
    %lt3A_249 = arith.cmpi slt, %rem3A_245, %lt3A_248 : i32
    %lt3A_250 = arith.constant 0 : i32
    %lt3A_251 = arith.cmpi slt, %select_n3A_244, %lt3A_250 : i32
    %ne3A_252 = arith.xori %lt3A_249, %lt3A_251 : i1
    %and3A_253 = arith.andi %ne3A_252, %ne3A_247 : i1
    %add3A_254 = arith.addi %rem3A_245, %select_n3A_244 : i32
    %select_n3A_255 = arith.select %and3A_253, %add3A_254, %rem3A_245 : i32
    %mul3A_256 = arith.constant 128 : i32
    %mul3A_257 = arith.muli %select_n3A_255, %mul3A_256 : i32
    %dma_start3A_258 = arith.constant 0 : i32
    %dma_start3A_259 = tpu.memref_slice %arg9[%select_n3A_239, %mul3A_257, %dma_start3A_258] : memref<201x1024x128xf32, #tpu.memory_space<hbm>> -> memref<1x128x128xf32, #tpu.memory_space<hbm>>
    %dma_start3A_260 = tpu.memref_squeeze %dma_start3A_259 : memref<1x128x128xf32, #tpu.memory_space<hbm>> -> memref<128x128xf32, #tpu.memory_space<hbm>>
    %dma_start3A_261 = arith.constant 0 : i32
    %dma_start3A_262 = tpu.memref_slice %arg9[%select_n3A_239, %mul3A_257, %dma_start3A_261] : memref<201x1024x128xf32, #tpu.memory_space<hbm>> -> memref<1x128x128xf32, #tpu.memory_space<hbm>>
    %dma_start3A_263 = tpu.memref_squeeze %dma_start3A_262 : memref<1x128x128xf32, #tpu.memory_space<hbm>> -> memref<128x128xf32, #tpu.memory_space<hbm>>
    tpu.enqueue_dma source(%arg18 : memref<128x128xf32, #tpu.memory_space<vmem>>) target(%dma_start3A_263 : memref<128x128xf32, #tpu.memory_space<hbm>>) target_semaphore(%arg30 : memref<!tpu.dma_semaphore, #tpu.memory_space<semaphore_mem>>)
    %add3A_264 = arith.constant 0 : i32
    %add3A_265 = arith.addi %add3A_4, %add3A_264 : i32
    %jit3A_266 = arith.constant 8 : i32
    %div3A_267 = arith.divsi %add3A_265, %jit3A_266 : i32
    %sign3A_268 = arith.constant 0 : i32
    %sign3A_269 = arith.cmpi sgt, %add3A_265, %sign3A_268 : i32
    %sign3A_270 = arith.extui %sign3A_269 : i1 to i32
    %sign3A_271 = arith.constant 0 : i32
    %sign3A_272 = arith.cmpi slt, %add3A_265, %sign3A_271 : i32
    %sign3A_273 = arith.extui %sign3A_272 : i1 to i32
    %sign3A_274 = arith.subi %sign3A_270, %sign3A_273 : i32
    %sign3A_275 = arith.constant 0 : i32
    %sign3A_276 = arith.cmpi sgt, %jit3A_266, %sign3A_275 : i32
    %sign3A_277 = arith.extui %sign3A_276 : i1 to i32
    %sign3A_278 = arith.constant 0 : i32
    %sign3A_279 = arith.cmpi slt, %jit3A_266, %sign3A_278 : i32
    %sign3A_280 = arith.extui %sign3A_279 : i1 to i32
    %sign3A_281 = arith.subi %sign3A_277, %sign3A_280 : i32
    %ne3A_282 = arith.cmpi ne, %sign3A_274, %sign3A_281 : i32
    %rem3A_283 = arith.remsi %add3A_265, %jit3A_266 : i32
    %ne3A_284 = arith.constant 0 : i32
    %ne3A_285 = arith.cmpi ne, %rem3A_283, %ne3A_284 : i32
    %and3A_286 = arith.andi %ne3A_282, %ne3A_285 : i1
    %sub3A_287 = arith.constant 1 : i32
    %sub3A_288 = arith.subi %div3A_267, %sub3A_287 : i32
    %select_n3A_289 = arith.select %and3A_286, %sub3A_288, %div3A_267 : i32
    %jit3A_290 = arith.constant 8 : i32
    %eq3A_291 = arith.constant 0 : i32
    %eq3A_292 = arith.cmpi eq, %jit3A_290, %eq3A_291 : i32
    %jit3A_293 = arith.constant 1 : i32
    %select_n3A_294 = arith.select %eq3A_292, %jit3A_293, %jit3A_290 : i32
    %rem3A_295 = arith.remsi %add3A_265, %select_n3A_294 : i32
    %ne3A_296 = arith.constant 0 : i32
    %ne3A_297 = arith.cmpi ne, %rem3A_295, %ne3A_296 : i32
    %lt3A_298 = arith.constant 0 : i32
    %lt3A_299 = arith.cmpi slt, %rem3A_295, %lt3A_298 : i32
    %lt3A_300 = arith.constant 0 : i32
    %lt3A_301 = arith.cmpi slt, %select_n3A_294, %lt3A_300 : i32
    %ne3A_302 = arith.xori %lt3A_299, %lt3A_301 : i1
    %and3A_303 = arith.andi %ne3A_302, %ne3A_297 : i1
    %add3A_304 = arith.addi %rem3A_295, %select_n3A_294 : i32
    %select_n3A_305 = arith.select %and3A_303, %add3A_304, %rem3A_295 : i32
    %mul3A_306 = arith.constant 128 : i32
    %mul3A_307 = arith.muli %select_n3A_305, %mul3A_306 : i32
    %dma_wait3A_308 = arith.constant 0 : i32
    %dma_wait3A_309 = tpu.memref_slice %arg9[%select_n3A_289, %mul3A_307, %dma_wait3A_308] : memref<201x1024x128xf32, #tpu.memory_space<hbm>> -> memref<1x128x128xf32, #tpu.memory_space<hbm>>
    %dma_wait3A_310 = tpu.memref_squeeze %dma_wait3A_309 : memref<1x128x128xf32, #tpu.memory_space<hbm>> -> memref<128x128xf32, #tpu.memory_space<hbm>>
    %dma_wait3A_311 = arith.constant 0 : i32
    %dma_wait3A_312 = tpu.memref_slice %arg9[%select_n3A_289, %mul3A_307, %dma_wait3A_311] : memref<201x1024x128xf32, #tpu.memory_space<hbm>> -> memref<1x128x128xf32, #tpu.memory_space<hbm>>
    %dma_wait3A_313 = tpu.memref_squeeze %dma_wait3A_312 : memref<1x128x128xf32, #tpu.memory_space<hbm>> -> memref<128x128xf32, #tpu.memory_space<hbm>>
    tpu.wait_dma2 semaphore(%arg27 : memref<!tpu.dma_semaphore, #tpu.memory_space<semaphore_mem>>) src(%arg15 : memref<128x128xf32, #tpu.memory_space<vmem>>) dst(%dma_wait3A_313 : memref<128x128xf32, #tpu.memory_space<hbm>>)
    %dma_start3A_314 = arith.constant 6144 : i32
    %dma_start3A_315 = tpu.memref_slice %arg14[%dma_start3A_314] : memref<6528xi32, #tpu.memory_space<vmem>> -> memref<128xi32, #tpu.memory_space<vmem>>
    %dma_start3A_316 = arith.constant 0 : i32
    %dma_start3A_317 = arith.constant 0 : i32
    %dma_start3A_318 = tpu.memref_slice %arg2[%dma_start3A_316, %dma_start3A_317] : memref<100000x128xf32, #tpu.memory_space<hbm>> -> memref<100000x128xf32, #tpu.memory_space<hbm>>
    tpu.enqueue_indirect_dma source(%dma_start3A_318 : memref<100000x128xf32, #tpu.memory_space<hbm>>) target(%arg15 : memref<128x128xf32, #tpu.memory_space<vmem>>) offsets(%dma_start3A_315 : memref<128xi32, #tpu.memory_space<vmem>>) semaphore(%arg21 : memref<!tpu.dma_semaphore, #tpu.memory_space<semaphore_mem>>)
    %dma_wait3A_319 = arith.constant 0 : i32
    %dma_wait3A_320 = tpu.memref_slice %arg14[%dma_wait3A_319] : memref<6528xi32, #tpu.memory_space<vmem>> -> memref<128xi32, #tpu.memory_space<vmem>>
    %dma_wait3A_321 = arith.constant 0 : i32
    %dma_wait3A_322 = arith.constant 0 : i32
    %dma_wait3A_323 = tpu.memref_slice %arg2[%dma_wait3A_321, %dma_wait3A_322] : memref<100000x128xf32, #tpu.memory_space<hbm>> -> memref<100000x128xf32, #tpu.memory_space<hbm>>
    tpu.wait_indirect_dma semaphore(%arg25 : memref<!tpu.dma_semaphore, #tpu.memory_space<semaphore_mem>>) src(%dma_wait3A_323 : memref<100000x128xf32, #tpu.memory_space<hbm>>) dst(%arg19 : memref<128x128xf32, #tpu.memory_space<vmem>>)
    %add3A_324 = arith.constant 46 : i32
    %add3A_325 = arith.addi %add3A_4, %add3A_324 : i32
    %jit3A_326 = arith.constant 8 : i32
    %div3A_327 = arith.divsi %add3A_325, %jit3A_326 : i32
    %sign3A_328 = arith.constant 0 : i32
    %sign3A_329 = arith.cmpi sgt, %add3A_325, %sign3A_328 : i32
    %sign3A_330 = arith.extui %sign3A_329 : i1 to i32
    %sign3A_331 = arith.constant 0 : i32
    %sign3A_332 = arith.cmpi slt, %add3A_325, %sign3A_331 : i32
    %sign3A_333 = arith.extui %sign3A_332 : i1 to i32
    %sign3A_334 = arith.subi %sign3A_330, %sign3A_333 : i32
    %sign3A_335 = arith.constant 0 : i32
    %sign3A_336 = arith.cmpi sgt, %jit3A_326, %sign3A_335 : i32
    %sign3A_337 = arith.extui %sign3A_336 : i1 to i32
    %sign3A_338 = arith.constant 0 : i32
    %sign3A_339 = arith.cmpi slt, %jit3A_326, %sign3A_338 : i32
    %sign3A_340 = arith.extui %sign3A_339 : i1 to i32
    %sign3A_341 = arith.subi %sign3A_337, %sign3A_340 : i32
    %ne3A_342 = arith.cmpi ne, %sign3A_334, %sign3A_341 : i32
    %rem3A_343 = arith.remsi %add3A_325, %jit3A_326 : i32
    %ne3A_344 = arith.constant 0 : i32
    %ne3A_345 = arith.cmpi ne, %rem3A_343, %ne3A_344 : i32
    %and3A_346 = arith.andi %ne3A_342, %ne3A_345 : i1
    %sub3A_347 = arith.constant 1 : i32
    %sub3A_348 = arith.subi %div3A_327, %sub3A_347 : i32
    %select_n3A_349 = arith.select %and3A_346, %sub3A_348, %div3A_327 : i32
    %jit3A_350 = arith.constant 8 : i32
    %eq3A_351 = arith.constant 0 : i32
    %eq3A_352 = arith.cmpi eq, %jit3A_350, %eq3A_351 : i32
    %jit3A_353 = arith.constant 1 : i32
    %select_n3A_354 = arith.select %eq3A_352, %jit3A_353, %jit3A_350 : i32
    %rem3A_355 = arith.remsi %add3A_325, %select_n3A_354 : i32
    %ne3A_356 = arith.constant 0 : i32
    %ne3A_357 = arith.cmpi ne, %rem3A_355, %ne3A_356 : i32
    %lt3A_358 = arith.constant 0 : i32
    %lt3A_359 = arith.cmpi slt, %rem3A_355, %lt3A_358 : i32
    %lt3A_360 = arith.constant 0 : i32
    %lt3A_361 = arith.cmpi slt, %select_n3A_354, %lt3A_360 : i32
    %ne3A_362 = arith.xori %lt3A_359, %lt3A_361 : i1
    %and3A_363 = arith.andi %ne3A_362, %ne3A_357 : i1
    %add3A_364 = arith.addi %rem3A_355, %select_n3A_354 : i32
    %select_n3A_365 = arith.select %and3A_363, %add3A_364, %rem3A_355 : i32
    %mul3A_366 = arith.constant 128 : i32
    %mul3A_367 = arith.muli %select_n3A_365, %mul3A_366 : i32
    %dma_start3A_368 = arith.constant 0 : i32
    %dma_start3A_369 = tpu.memref_slice %arg9[%select_n3A_349, %mul3A_367, %dma_start3A_368] : memref<201x1024x128xf32, #tpu.memory_space<hbm>> -> memref<1x128x128xf32, #tpu.memory_space<hbm>>
    %dma_start3A_370 = tpu.memref_squeeze %dma_start3A_369 : memref<1x128x128xf32, #tpu.memory_space<hbm>> -> memref<128x128xf32, #tpu.memory_space<hbm>>
    %dma_start3A_371 = arith.constant 0 : i32
    %dma_start3A_372 = tpu.memref_slice %arg9[%select_n3A_349, %mul3A_367, %dma_start3A_371] : memref<201x1024x128xf32, #tpu.memory_space<hbm>> -> memref<1x128x128xf32, #tpu.memory_space<hbm>>
    %dma_start3A_373 = tpu.memref_squeeze %dma_start3A_372 : memref<1x128x128xf32, #tpu.memory_space<hbm>> -> memref<128x128xf32, #tpu.memory_space<hbm>>
    tpu.enqueue_dma source(%arg19 : memref<128x128xf32, #tpu.memory_space<vmem>>) target(%dma_start3A_373 : memref<128x128xf32, #tpu.memory_space<hbm>>) target_semaphore(%arg31 : memref<!tpu.dma_semaphore, #tpu.memory_space<semaphore_mem>>)
    %add3A_374 = arith.constant 0 : i32
    %add3A_375 = arith.addi %add3A_4, %add3A_374 : i32
    %jit3A_376 = arith.constant 8 : i32
    %div3A_377 = arith.divsi %add3A_375, %jit3A_376 : i32
    %sign3A_378 = arith.constant 0 : i32
    %sign3A_379 = arith.cmpi sgt, %add3A_375, %sign3A_378 : i32
    %sign3A_380 = arith.extui %sign3A_379 : i1 to i32
    %sign3A_381 = arith.constant 0 : i32
    %sign3A_382 = arith.cmpi slt, %add3A_375, %sign3A_381 : i32
    %sign3A_383 = arith.extui %sign3A_382 : i1 to i32
    %sign3A_384 = arith.subi %sign3A_380, %sign3A_383 : i32
    %sign3A_385 = arith.constant 0 : i32
    %sign3A_386 = arith.cmpi sgt, %jit3A_376, %sign3A_385 : i32
    %sign3A_387 = arith.extui %sign3A_386 : i1 to i32
    %sign3A_388 = arith.constant 0 : i32
    %sign3A_389 = arith.cmpi slt, %jit3A_376, %sign3A_388 : i32
    %sign3A_390 = arith.extui %sign3A_389 : i1 to i32
    %sign3A_391 = arith.subi %sign3A_387, %sign3A_390 : i32
    %ne3A_392 = arith.cmpi ne, %sign3A_384, %sign3A_391 : i32
    %rem3A_393 = arith.remsi %add3A_375, %jit3A_376 : i32
    %ne3A_394 = arith.constant 0 : i32
    %ne3A_395 = arith.cmpi ne, %rem3A_393, %ne3A_394 : i32
    %and3A_396 = arith.andi %ne3A_392, %ne3A_395 : i1
    %sub3A_397 = arith.constant 1 : i32
    %sub3A_398 = arith.subi %div3A_377, %sub3A_397 : i32
    %select_n3A_399 = arith.select %and3A_396, %sub3A_398, %div3A_377 : i32
    %jit3A_400 = arith.constant 8 : i32
    %eq3A_401 = arith.constant 0 : i32
    %eq3A_402 = arith.cmpi eq, %jit3A_400, %eq3A_401 : i32
    %jit3A_403 = arith.constant 1 : i32
    %select_n3A_404 = arith.select %eq3A_402, %jit3A_403, %jit3A_400 : i32
    %rem3A_405 = arith.remsi %add3A_375, %select_n3A_404 : i32
    %ne3A_406 = arith.constant 0 : i32
    %ne3A_407 = arith.cmpi ne, %rem3A_405, %ne3A_406 : i32
    %lt3A_408 = arith.constant 0 : i32
    %lt3A_409 = arith.cmpi slt, %rem3A_405, %lt3A_408 : i32
    %lt3A_410 = arith.constant 0 : i32
    %lt3A_411 = arith.cmpi slt, %select_n3A_404, %lt3A_410 : i32
    %ne3A_412 = arith.xori %lt3A_409, %lt3A_411 : i1
    %and3A_413 = arith.andi %ne3A_412, %ne3A_407 : i1
    %add3A_414 = arith.addi %rem3A_405, %select_n3A_404 : i32
    %select_n3A_415 = arith.select %and3A_413, %add3A_414, %rem3A_405 : i32
    %mul3A_416 = arith.constant 128 : i32
    %mul3A_417 = arith.muli %select_n3A_415, %mul3A_416 : i32
    %dma_wait3A_418 = arith.constant 0 : i32
    %dma_wait3A_419 = tpu.memref_slice %arg9[%select_n3A_399, %mul3A_417, %dma_wait3A_418] : memref<201x1024x128xf32, #tpu.memory_space<hbm>> -> memref<1x128x128xf32, #tpu.memory_space<hbm>>
    %dma_wait3A_420 = tpu.memref_squeeze %dma_wait3A_419 : memref<1x128x128xf32, #tpu.memory_space<hbm>> -> memref<128x128xf32, #tpu.memory_space<hbm>>
    %dma_wait3A_421 = arith.constant 0 : i32
    %dma_wait3A_422 = tpu.memref_slice %arg9[%select_n3A_399, %mul3A_417, %dma_wait3A_421] : memref<201x1024x128xf32, #tpu.memory_space<hbm>> -> memref<1x128x128xf32, #tpu.memory_space<hbm>>
    %dma_wait3A_423 = tpu.memref_squeeze %dma_wait3A_422 : memref<1x128x128xf32, #tpu.memory_space<hbm>> -> memref<128x128xf32, #tpu.memory_space<hbm>>
    tpu.wait_dma2 semaphore(%arg28 : memref<!tpu.dma_semaphore, #tpu.memory_space<semaphore_mem>>) src(%arg16 : memref<128x128xf32, #tpu.memory_space<vmem>>) dst(%dma_wait3A_423 : memref<128x128xf32, #tpu.memory_space<hbm>>)
    %dma_start3A_424 = arith.constant 6272 : i32
    %dma_start3A_425 = tpu.memref_slice %arg14[%dma_start3A_424] : memref<6528xi32, #tpu.memory_space<vmem>> -> memref<128xi32, #tpu.memory_space<vmem>>
    %dma_start3A_426 = arith.constant 0 : i32
    %dma_start3A_427 = arith.constant 0 : i32
    %dma_start3A_428 = tpu.memref_slice %arg2[%dma_start3A_426, %dma_start3A_427] : memref<100000x128xf32, #tpu.memory_space<hbm>> -> memref<100000x128xf32, #tpu.memory_space<hbm>>
    tpu.enqueue_indirect_dma source(%dma_start3A_428 : memref<100000x128xf32, #tpu.memory_space<hbm>>) target(%arg16 : memref<128x128xf32, #tpu.memory_space<vmem>>) offsets(%dma_start3A_425 : memref<128xi32, #tpu.memory_space<vmem>>) semaphore(%arg22 : memref<!tpu.dma_semaphore, #tpu.memory_space<semaphore_mem>>)
    %dma_wait3A_429 = arith.constant 0 : i32
    %dma_wait3A_430 = tpu.memref_slice %arg14[%dma_wait3A_429] : memref<6528xi32, #tpu.memory_space<vmem>> -> memref<128xi32, #tpu.memory_space<vmem>>
    %dma_wait3A_431 = arith.constant 0 : i32
    %dma_wait3A_432 = arith.constant 0 : i32
    %dma_wait3A_433 = tpu.memref_slice %arg2[%dma_wait3A_431, %dma_wait3A_432] : memref<100000x128xf32, #tpu.memory_space<hbm>> -> memref<100000x128xf32, #tpu.memory_space<hbm>>
    tpu.wait_indirect_dma semaphore(%arg26 : memref<!tpu.dma_semaphore, #tpu.memory_space<semaphore_mem>>) src(%dma_wait3A_433 : memref<100000x128xf32, #tpu.memory_space<hbm>>) dst(%arg20 : memref<128x128xf32, #tpu.memory_space<vmem>>)
    %add3A_434 = arith.constant 47 : i32
    %add3A_435 = arith.addi %add3A_4, %add3A_434 : i32
    %jit3A_436 = arith.constant 8 : i32
    %div3A_437 = arith.divsi %add3A_435, %jit3A_436 : i32
    %sign3A_438 = arith.constant 0 : i32
    %sign3A_439 = arith.cmpi sgt, %add3A_435, %sign3A_438 : i32
    %sign3A_440 = arith.extui %sign3A_439 : i1 to i32
    %sign3A_441 = arith.constant 0 : i32
    %sign3A_442 = arith.cmpi slt, %add3A_435, %sign3A_441 : i32
    %sign3A_443 = arith.extui %sign3A_442 : i1 to i32
    %sign3A_444 = arith.subi %sign3A_440, %sign3A_443 : i32
    %sign3A_445 = arith.constant 0 : i32
    %sign3A_446 = arith.cmpi sgt, %jit3A_436, %sign3A_445 : i32
    %sign3A_447 = arith.extui %sign3A_446 : i1 to i32
    %sign3A_448 = arith.constant 0 : i32
    %sign3A_449 = arith.cmpi slt, %jit3A_436, %sign3A_448 : i32
    %sign3A_450 = arith.extui %sign3A_449 : i1 to i32
    %sign3A_451 = arith.subi %sign3A_447, %sign3A_450 : i32
    %ne3A_452 = arith.cmpi ne, %sign3A_444, %sign3A_451 : i32
    %rem3A_453 = arith.remsi %add3A_435, %jit3A_436 : i32
    %ne3A_454 = arith.constant 0 : i32
    %ne3A_455 = arith.cmpi ne, %rem3A_453, %ne3A_454 : i32
    %and3A_456 = arith.andi %ne3A_452, %ne3A_455 : i1
    %sub3A_457 = arith.constant 1 : i32
    %sub3A_458 = arith.subi %div3A_437, %sub3A_457 : i32
    %select_n3A_459 = arith.select %and3A_456, %sub3A_458, %div3A_437 : i32
    %jit3A_460 = arith.constant 8 : i32
    %eq3A_461 = arith.constant 0 : i32
    %eq3A_462 = arith.cmpi eq, %jit3A_460, %eq3A_461 : i32
    %jit3A_463 = arith.constant 1 : i32
    %select_n3A_464 = arith.select %eq3A_462, %jit3A_463, %jit3A_460 : i32
    %rem3A_465 = arith.remsi %add3A_435, %select_n3A_464 : i32
    %ne3A_466 = arith.constant 0 : i32
    %ne3A_467 = arith.cmpi ne, %rem3A_465, %ne3A_466 : i32
    %lt3A_468 = arith.constant 0 : i32
    %lt3A_469 = arith.cmpi slt, %rem3A_465, %lt3A_468 : i32
    %lt3A_470 = arith.constant 0 : i32
    %lt3A_471 = arith.cmpi slt, %select_n3A_464, %lt3A_470 : i32
    %ne3A_472 = arith.xori %lt3A_469, %lt3A_471 : i1
    %and3A_473 = arith.andi %ne3A_472, %ne3A_467 : i1
    %add3A_474 = arith.addi %rem3A_465, %select_n3A_464 : i32
    %select_n3A_475 = arith.select %and3A_473, %add3A_474, %rem3A_465 : i32
    %mul3A_476 = arith.constant 128 : i32
    %mul3A_477 = arith.muli %select_n3A_475, %mul3A_476 : i32
    %dma_start3A_478 = arith.constant 0 : i32
    %dma_start3A_479 = tpu.memref_slice %arg9[%select_n3A_459, %mul3A_477, %dma_start3A_478] : memref<201x1024x128xf32, #tpu.memory_space<hbm>> -> memref<1x128x128xf32, #tpu.memory_space<hbm>>
    %dma_start3A_480 = tpu.memref_squeeze %dma_start3A_479 : memref<1x128x128xf32, #tpu.memory_space<hbm>> -> memref<128x128xf32, #tpu.memory_space<hbm>>
    %dma_start3A_481 = arith.constant 0 : i32
    %dma_start3A_482 = tpu.memref_slice %arg9[%select_n3A_459, %mul3A_477, %dma_start3A_481] : memref<201x1024x128xf32, #tpu.memory_space<hbm>> -> memref<1x128x128xf32, #tpu.memory_space<hbm>>
    %dma_start3A_483 = tpu.memref_squeeze %dma_start3A_482 : memref<1x128x128xf32, #tpu.memory_space<hbm>> -> memref<128x128xf32, #tpu.memory_space<hbm>>
    tpu.enqueue_dma source(%arg20 : memref<128x128xf32, #tpu.memory_space<vmem>>) target(%dma_start3A_483 : memref<128x128xf32, #tpu.memory_space<hbm>>) target_semaphore(%arg32 : memref<!tpu.dma_semaphore, #tpu.memory_space<semaphore_mem>>)
    %dma_wait3A_484 = arith.constant 0 : i32
    %dma_wait3A_485 = tpu.memref_slice %arg14[%dma_wait3A_484] : memref<6528xi32, #tpu.memory_space<vmem>> -> memref<128xi32, #tpu.memory_space<vmem>>
    %dma_wait3A_486 = arith.constant 0 : i32
    %dma_wait3A_487 = arith.constant 0 : i32
    %dma_wait3A_488 = tpu.memref_slice %arg2[%dma_wait3A_486, %dma_wait3A_487] : memref<100000x128xf32, #tpu.memory_space<hbm>> -> memref<100000x128xf32, #tpu.memory_space<hbm>>
    tpu.wait_indirect_dma semaphore(%arg21 : memref<!tpu.dma_semaphore, #tpu.memory_space<semaphore_mem>>) src(%dma_wait3A_488 : memref<100000x128xf32, #tpu.memory_space<hbm>>) dst(%arg15 : memref<128x128xf32, #tpu.memory_space<vmem>>)
    %add3A_489 = arith.constant 48 : i32
    %add3A_490 = arith.addi %add3A_4, %add3A_489 : i32
    %jit3A_491 = arith.constant 8 : i32
    %div3A_492 = arith.divsi %add3A_490, %jit3A_491 : i32
    %sign3A_493 = arith.constant 0 : i32
    %sign3A_494 = arith.cmpi sgt, %add3A_490, %sign3A_493 : i32
    %sign3A_495 = arith.extui %sign3A_494 : i1 to i32
    %sign3A_496 = arith.constant 0 : i32
    %sign3A_497 = arith.cmpi slt, %add3A_490, %sign3A_496 : i32
    %sign3A_498 = arith.extui %sign3A_497 : i1 to i32
    %sign3A_499 = arith.subi %sign3A_495, %sign3A_498 : i32
    %sign3A_500 = arith.constant 0 : i32
    %sign3A_501 = arith.cmpi sgt, %jit3A_491, %sign3A_500 : i32
    %sign3A_502 = arith.extui %sign3A_501 : i1 to i32
    %sign3A_503 = arith.constant 0 : i32
    %sign3A_504 = arith.cmpi slt, %jit3A_491, %sign3A_503 : i32
    %sign3A_505 = arith.extui %sign3A_504 : i1 to i32
    %sign3A_506 = arith.subi %sign3A_502, %sign3A_505 : i32
    %ne3A_507 = arith.cmpi ne, %sign3A_499, %sign3A_506 : i32
    %rem3A_508 = arith.remsi %add3A_490, %jit3A_491 : i32
    %ne3A_509 = arith.constant 0 : i32
    %ne3A_510 = arith.cmpi ne, %rem3A_508, %ne3A_509 : i32
    %and3A_511 = arith.andi %ne3A_507, %ne3A_510 : i1
    %sub3A_512 = arith.constant 1 : i32
    %sub3A_513 = arith.subi %div3A_492, %sub3A_512 : i32
    %select_n3A_514 = arith.select %and3A_511, %sub3A_513, %div3A_492 : i32
    %jit3A_515 = arith.constant 8 : i32
    %eq3A_516 = arith.constant 0 : i32
    %eq3A_517 = arith.cmpi eq, %jit3A_515, %eq3A_516 : i32
    %jit3A_518 = arith.constant 1 : i32
    %select_n3A_519 = arith.select %eq3A_517, %jit3A_518, %jit3A_515 : i32
    %rem3A_520 = arith.remsi %add3A_490, %select_n3A_519 : i32
    %ne3A_521 = arith.constant 0 : i32
    %ne3A_522 = arith.cmpi ne, %rem3A_520, %ne3A_521 : i32
    %lt3A_523 = arith.constant 0 : i32
    %lt3A_524 = arith.cmpi slt, %rem3A_520, %lt3A_523 : i32
    %lt3A_525 = arith.constant 0 : i32
    %lt3A_526 = arith.cmpi slt, %select_n3A_519, %lt3A_525 : i32
    %ne3A_527 = arith.xori %lt3A_524, %lt3A_526 : i1
    %and3A_528 = arith.andi %ne3A_527, %ne3A_522 : i1
    %add3A_529 = arith.addi %rem3A_520, %select_n3A_519 : i32
    %select_n3A_530 = arith.select %and3A_528, %add3A_529, %rem3A_520 : i32
    %mul3A_531 = arith.constant 128 : i32
    %mul3A_532 = arith.muli %select_n3A_530, %mul3A_531 : i32
    %dma_start3A_533 = arith.constant 0 : i32
    %dma_start3A_534 = tpu.memref_slice %arg9[%select_n3A_514, %mul3A_532, %dma_start3A_533] : memref<201x1024x128xf32, #tpu.memory_space<hbm>> -> memref<1x128x128xf32, #tpu.memory_space<hbm>>
    %dma_start3A_535 = tpu.memref_squeeze %dma_start3A_534 : memref<1x128x128xf32, #tpu.memory_space<hbm>> -> memref<128x128xf32, #tpu.memory_space<hbm>>
    %dma_start3A_536 = arith.constant 0 : i32
    %dma_start3A_537 = tpu.memref_slice %arg9[%select_n3A_514, %mul3A_532, %dma_start3A_536] : memref<201x1024x128xf32, #tpu.memory_space<hbm>> -> memref<1x128x128xf32, #tpu.memory_space<hbm>>
    %dma_start3A_538 = tpu.memref_squeeze %dma_start3A_537 : memref<1x128x128xf32, #tpu.memory_space<hbm>> -> memref<128x128xf32, #tpu.memory_space<hbm>>
    tpu.enqueue_dma source(%arg15 : memref<128x128xf32, #tpu.memory_space<vmem>>) target(%dma_start3A_538 : memref<128x128xf32, #tpu.memory_space<hbm>>) target_semaphore(%arg27 : memref<!tpu.dma_semaphore, #tpu.memory_space<semaphore_mem>>)
    %dma_wait3A_539 = arith.constant 0 : i32
    %dma_wait3A_540 = tpu.memref_slice %arg14[%dma_wait3A_539] : memref<6528xi32, #tpu.memory_space<vmem>> -> memref<128xi32, #tpu.memory_space<vmem>>
    %dma_wait3A_541 = arith.constant 0 : i32
    %dma_wait3A_542 = arith.constant 0 : i32
    %dma_wait3A_543 = tpu.memref_slice %arg2[%dma_wait3A_541, %dma_wait3A_542] : memref<100000x128xf32, #tpu.memory_space<hbm>> -> memref<100000x128xf32, #tpu.memory_space<hbm>>
    tpu.wait_indirect_dma semaphore(%arg22 : memref<!tpu.dma_semaphore, #tpu.memory_space<semaphore_mem>>) src(%dma_wait3A_543 : memref<100000x128xf32, #tpu.memory_space<hbm>>) dst(%arg16 : memref<128x128xf32, #tpu.memory_space<vmem>>)
    %add3A_544 = arith.constant 49 : i32
    %add3A_545 = arith.addi %add3A_4, %add3A_544 : i32
    %jit3A_546 = arith.constant 8 : i32
    %div3A_547 = arith.divsi %add3A_545, %jit3A_546 : i32
    %sign3A_548 = arith.constant 0 : i32
    %sign3A_549 = arith.cmpi sgt, %add3A_545, %sign3A_548 : i32
    %sign3A_550 = arith.extui %sign3A_549 : i1 to i32
    %sign3A_551 = arith.constant 0 : i32
    %sign3A_552 = arith.cmpi slt, %add3A_545, %sign3A_551 : i32
    %sign3A_553 = arith.extui %sign3A_552 : i1 to i32
    %sign3A_554 = arith.subi %sign3A_550, %sign3A_553 : i32
    %sign3A_555 = arith.constant 0 : i32
    %sign3A_556 = arith.cmpi sgt, %jit3A_546, %sign3A_555 : i32
    %sign3A_557 = arith.extui %sign3A_556 : i1 to i32
    %sign3A_558 = arith.constant 0 : i32
    %sign3A_559 = arith.cmpi slt, %jit3A_546, %sign3A_558 : i32
    %sign3A_560 = arith.extui %sign3A_559 : i1 to i32
    %sign3A_561 = arith.subi %sign3A_557, %sign3A_560 : i32
    %ne3A_562 = arith.cmpi ne, %sign3A_554, %sign3A_561 : i32
    %rem3A_563 = arith.remsi %add3A_545, %jit3A_546 : i32
    %ne3A_564 = arith.constant 0 : i32
    %ne3A_565 = arith.cmpi ne, %rem3A_563, %ne3A_564 : i32
    %and3A_566 = arith.andi %ne3A_562, %ne3A_565 : i1
    %sub3A_567 = arith.constant 1 : i32
    %sub3A_568 = arith.subi %div3A_547, %sub3A_567 : i32
    %select_n3A_569 = arith.select %and3A_566, %sub3A_568, %div3A_547 : i32
    %jit3A_570 = arith.constant 8 : i32
    %eq3A_571 = arith.constant 0 : i32
    %eq3A_572 = arith.cmpi eq, %jit3A_570, %eq3A_571 : i32
    %jit3A_573 = arith.constant 1 : i32
    %select_n3A_574 = arith.select %eq3A_572, %jit3A_573, %jit3A_570 : i32
    %rem3A_575 = arith.remsi %add3A_545, %select_n3A_574 : i32
    %ne3A_576 = arith.constant 0 : i32
    %ne3A_577 = arith.cmpi ne, %rem3A_575, %ne3A_576 : i32
    %lt3A_578 = arith.constant 0 : i32
    %lt3A_579 = arith.cmpi slt, %rem3A_575, %lt3A_578 : i32
    %lt3A_580 = arith.constant 0 : i32
    %lt3A_581 = arith.cmpi slt, %select_n3A_574, %lt3A_580 : i32
    %ne3A_582 = arith.xori %lt3A_579, %lt3A_581 : i1
    %and3A_583 = arith.andi %ne3A_582, %ne3A_577 : i1
    %add3A_584 = arith.addi %rem3A_575, %select_n3A_574 : i32
    %select_n3A_585 = arith.select %and3A_583, %add3A_584, %rem3A_575 : i32
    %mul3A_586 = arith.constant 128 : i32
    %mul3A_587 = arith.muli %select_n3A_585, %mul3A_586 : i32
    %dma_start3A_588 = arith.constant 0 : i32
    %dma_start3A_589 = tpu.memref_slice %arg9[%select_n3A_569, %mul3A_587, %dma_start3A_588] : memref<201x1024x128xf32, #tpu.memory_space<hbm>> -> memref<1x128x128xf32, #tpu.memory_space<hbm>>
    %dma_start3A_590 = tpu.memref_squeeze %dma_start3A_589 : memref<1x128x128xf32, #tpu.memory_space<hbm>> -> memref<128x128xf32, #tpu.memory_space<hbm>>
    %dma_start3A_591 = arith.constant 0 : i32
    %dma_start3A_592 = tpu.memref_slice %arg9[%select_n3A_569, %mul3A_587, %dma_start3A_591] : memref<201x1024x128xf32, #tpu.memory_space<hbm>> -> memref<1x128x128xf32, #tpu.memory_space<hbm>>
    %dma_start3A_593 = tpu.memref_squeeze %dma_start3A_592 : memref<1x128x128xf32, #tpu.memory_space<hbm>> -> memref<128x128xf32, #tpu.memory_space<hbm>>
    tpu.enqueue_dma source(%arg16 : memref<128x128xf32, #tpu.memory_space<vmem>>) target(%dma_start3A_593 : memref<128x128xf32, #tpu.memory_space<hbm>>) target_semaphore(%arg28 : memref<!tpu.dma_semaphore, #tpu.memory_space<semaphore_mem>>)
    %add3A_594 = arith.constant 0 : i32
    %add3A_595 = arith.addi %add3A_4, %add3A_594 : i32
    %jit3A_596 = arith.constant 8 : i32
    %div3A_597 = arith.divsi %add3A_595, %jit3A_596 : i32
    %sign3A_598 = arith.constant 0 : i32
    %sign3A_599 = arith.cmpi sgt, %add3A_595, %sign3A_598 : i32
    %sign3A_600 = arith.extui %sign3A_599 : i1 to i32
    %sign3A_601 = arith.constant 0 : i32
    %sign3A_602 = arith.cmpi slt, %add3A_595, %sign3A_601 : i32
    %sign3A_603 = arith.extui %sign3A_602 : i1 to i32
    %sign3A_604 = arith.subi %sign3A_600, %sign3A_603 : i32
    %sign3A_605 = arith.constant 0 : i32
    %sign3A_606 = arith.cmpi sgt, %jit3A_596, %sign3A_605 : i32
    %sign3A_607 = arith.extui %sign3A_606 : i1 to i32
    %sign3A_608 = arith.constant 0 : i32
    %sign3A_609 = arith.cmpi slt, %jit3A_596, %sign3A_608 : i32
    %sign3A_610 = arith.extui %sign3A_609 : i1 to i32
    %sign3A_611 = arith.subi %sign3A_607, %sign3A_610 : i32
    %ne3A_612 = arith.cmpi ne, %sign3A_604, %sign3A_611 : i32
    %rem3A_613 = arith.remsi %add3A_595, %jit3A_596 : i32
    %ne3A_614 = arith.constant 0 : i32
    %ne3A_615 = arith.cmpi ne, %rem3A_613, %ne3A_614 : i32
    %and3A_616 = arith.andi %ne3A_612, %ne3A_615 : i1
    %sub3A_617 = arith.constant 1 : i32
    %sub3A_618 = arith.subi %div3A_597, %sub3A_617 : i32
    %select_n3A_619 = arith.select %and3A_616, %sub3A_618, %div3A_597 : i32
    %jit3A_620 = arith.constant 8 : i32
    %eq3A_621 = arith.constant 0 : i32
    %eq3A_622 = arith.cmpi eq, %jit3A_620, %eq3A_621 : i32
    %jit3A_623 = arith.constant 1 : i32
    %select_n3A_624 = arith.select %eq3A_622, %jit3A_623, %jit3A_620 : i32
    %rem3A_625 = arith.remsi %add3A_595, %select_n3A_624 : i32
    %ne3A_626 = arith.constant 0 : i32
    %ne3A_627 = arith.cmpi ne, %rem3A_625, %ne3A_626 : i32
    %lt3A_628 = arith.constant 0 : i32
    %lt3A_629 = arith.cmpi slt, %rem3A_625, %lt3A_628 : i32
    %lt3A_630 = arith.constant 0 : i32
    %lt3A_631 = arith.cmpi slt, %select_n3A_624, %lt3A_630 : i32
    %ne3A_632 = arith.xori %lt3A_629, %lt3A_631 : i1
    %and3A_633 = arith.andi %ne3A_632, %ne3A_627 : i1
    %add3A_634 = arith.addi %rem3A_625, %select_n3A_624 : i32
    %select_n3A_635 = arith.select %and3A_633, %add3A_634, %rem3A_625 : i32
    %mul3A_636 = arith.constant 128 : i32
    %mul3A_637 = arith.muli %select_n3A_635, %mul3A_636 : i32
    %dma_wait3A_638 = arith.constant 0 : i32
    %dma_wait3A_639 = tpu.memref_slice %arg9[%select_n3A_619, %mul3A_637, %dma_wait3A_638] : memref<201x1024x128xf32, #tpu.memory_space<hbm>> -> memref<1x128x128xf32, #tpu.memory_space<hbm>>
    %dma_wait3A_640 = tpu.memref_squeeze %dma_wait3A_639 : memref<1x128x128xf32, #tpu.memory_space<hbm>> -> memref<128x128xf32, #tpu.memory_space<hbm>>
    %dma_wait3A_641 = arith.constant 0 : i32
    %dma_wait3A_642 = tpu.memref_slice %arg9[%select_n3A_619, %mul3A_637, %dma_wait3A_641] : memref<201x1024x128xf32, #tpu.memory_space<hbm>> -> memref<1x128x128xf32, #tpu.memory_space<hbm>>
    %dma_wait3A_643 = tpu.memref_squeeze %dma_wait3A_642 : memref<1x128x128xf32, #tpu.memory_space<hbm>> -> memref<128x128xf32, #tpu.memory_space<hbm>>
    tpu.wait_dma2 semaphore(%arg29 : memref<!tpu.dma_semaphore, #tpu.memory_space<semaphore_mem>>) src(%arg17 : memref<128x128xf32, #tpu.memory_space<vmem>>) dst(%dma_wait3A_643 : memref<128x128xf32, #tpu.memory_space<hbm>>)
    %add3A_644 = arith.constant 0 : i32
    %add3A_645 = arith.addi %add3A_4, %add3A_644 : i32
    %jit3A_646 = arith.constant 8 : i32
    %div3A_647 = arith.divsi %add3A_645, %jit3A_646 : i32
    %sign3A_648 = arith.constant 0 : i32
    %sign3A_649 = arith.cmpi sgt, %add3A_645, %sign3A_648 : i32
    %sign3A_650 = arith.extui %sign3A_649 : i1 to i32
    %sign3A_651 = arith.constant 0 : i32
    %sign3A_652 = arith.cmpi slt, %add3A_645, %sign3A_651 : i32
    %sign3A_653 = arith.extui %sign3A_652 : i1 to i32
    %sign3A_654 = arith.subi %sign3A_650, %sign3A_653 : i32
    %sign3A_655 = arith.constant 0 : i32
    %sign3A_656 = arith.cmpi sgt, %jit3A_646, %sign3A_655 : i32
    %sign3A_657 = arith.extui %sign3A_656 : i1 to i32
    %sign3A_658 = arith.constant 0 : i32
    %sign3A_659 = arith.cmpi slt, %jit3A_646, %sign3A_658 : i32
    %sign3A_660 = arith.extui %sign3A_659 : i1 to i32
    %sign3A_661 = arith.subi %sign3A_657, %sign3A_660 : i32
    %ne3A_662 = arith.cmpi ne, %sign3A_654, %sign3A_661 : i32
    %rem3A_663 = arith.remsi %add3A_645, %jit3A_646 : i32
    %ne3A_664 = arith.constant 0 : i32
    %ne3A_665 = arith.cmpi ne, %rem3A_663, %ne3A_664 : i32
    %and3A_666 = arith.andi %ne3A_662, %ne3A_665 : i1
    %sub3A_667 = arith.constant 1 : i32
    %sub3A_668 = arith.subi %div3A_647, %sub3A_667 : i32
    %select_n3A_669 = arith.select %and3A_666, %sub3A_668, %div3A_647 : i32
    %jit3A_670 = arith.constant 8 : i32
    %eq3A_671 = arith.constant 0 : i32
    %eq3A_672 = arith.cmpi eq, %jit3A_670, %eq3A_671 : i32
    %jit3A_673 = arith.constant 1 : i32
    %select_n3A_674 = arith.select %eq3A_672, %jit3A_673, %jit3A_670 : i32
    %rem3A_675 = arith.remsi %add3A_645, %select_n3A_674 : i32
    %ne3A_676 = arith.constant 0 : i32
    %ne3A_677 = arith.cmpi ne, %rem3A_675, %ne3A_676 : i32
    %lt3A_678 = arith.constant 0 : i32
    %lt3A_679 = arith.cmpi slt, %rem3A_675, %lt3A_678 : i32
    %lt3A_680 = arith.constant 0 : i32
    %lt3A_681 = arith.cmpi slt, %select_n3A_674, %lt3A_680 : i32
    %ne3A_682 = arith.xori %lt3A_679, %lt3A_681 : i1
    %and3A_683 = arith.andi %ne3A_682, %ne3A_677 : i1
    %add3A_684 = arith.addi %rem3A_675, %select_n3A_674 : i32
    %select_n3A_685 = arith.select %and3A_683, %add3A_684, %rem3A_675 : i32
    %mul3A_686 = arith.constant 128 : i32
    %mul3A_687 = arith.muli %select_n3A_685, %mul3A_686 : i32
    %dma_wait3A_688 = arith.constant 0 : i32
    %dma_wait3A_689 = tpu.memref_slice %arg9[%select_n3A_669, %mul3A_687, %dma_wait3A_688] : memref<201x1024x128xf32, #tpu.memory_space<hbm>> -> memref<1x128x128xf32, #tpu.memory_space<hbm>>
    %dma_wait3A_690 = tpu.memref_squeeze %dma_wait3A_689 : memref<1x128x128xf32, #tpu.memory_space<hbm>> -> memref<128x128xf32, #tpu.memory_space<hbm>>
    %dma_wait3A_691 = arith.constant 0 : i32
    %dma_wait3A_692 = tpu.memref_slice %arg9[%select_n3A_669, %mul3A_687, %dma_wait3A_691] : memref<201x1024x128xf32, #tpu.memory_space<hbm>> -> memref<1x128x128xf32, #tpu.memory_space<hbm>>
    %dma_wait3A_693 = tpu.memref_squeeze %dma_wait3A_692 : memref<1x128x128xf32, #tpu.memory_space<hbm>> -> memref<128x128xf32, #tpu.memory_space<hbm>>
    tpu.wait_dma2 semaphore(%arg30 : memref<!tpu.dma_semaphore, #tpu.memory_space<semaphore_mem>>) src(%arg18 : memref<128x128xf32, #tpu.memory_space<vmem>>) dst(%dma_wait3A_693 : memref<128x128xf32, #tpu.memory_space<hbm>>)
    %add3A_694 = arith.constant 0 : i32
    %add3A_695 = arith.addi %add3A_4, %add3A_694 : i32
    %jit3A_696 = arith.constant 8 : i32
    %div3A_697 = arith.divsi %add3A_695, %jit3A_696 : i32
    %sign3A_698 = arith.constant 0 : i32
    %sign3A_699 = arith.cmpi sgt, %add3A_695, %sign3A_698 : i32
    %sign3A_700 = arith.extui %sign3A_699 : i1 to i32
    %sign3A_701 = arith.constant 0 : i32
    %sign3A_702 = arith.cmpi slt, %add3A_695, %sign3A_701 : i32
    %sign3A_703 = arith.extui %sign3A_702 : i1 to i32
    %sign3A_704 = arith.subi %sign3A_700, %sign3A_703 : i32
    %sign3A_705 = arith.constant 0 : i32
    %sign3A_706 = arith.cmpi sgt, %jit3A_696, %sign3A_705 : i32
    %sign3A_707 = arith.extui %sign3A_706 : i1 to i32
    %sign3A_708 = arith.constant 0 : i32
    %sign3A_709 = arith.cmpi slt, %jit3A_696, %sign3A_708 : i32
    %sign3A_710 = arith.extui %sign3A_709 : i1 to i32
    %sign3A_711 = arith.subi %sign3A_707, %sign3A_710 : i32
    %ne3A_712 = arith.cmpi ne, %sign3A_704, %sign3A_711 : i32
    %rem3A_713 = arith.remsi %add3A_695, %jit3A_696 : i32
    %ne3A_714 = arith.constant 0 : i32
    %ne3A_715 = arith.cmpi ne, %rem3A_713, %ne3A_714 : i32
    %and3A_716 = arith.andi %ne3A_712, %ne3A_715 : i1
    %sub3A_717 = arith.constant 1 : i32
    %sub3A_718 = arith.subi %div3A_697, %sub3A_717 : i32
    %select_n3A_719 = arith.select %and3A_716, %sub3A_718, %div3A_697 : i32
    %jit3A_720 = arith.constant 8 : i32
    %eq3A_721 = arith.constant 0 : i32
    %eq3A_722 = arith.cmpi eq, %jit3A_720, %eq3A_721 : i32
    %jit3A_723 = arith.constant 1 : i32
    %select_n3A_724 = arith.select %eq3A_722, %jit3A_723, %jit3A_720 : i32
    %rem3A_725 = arith.remsi %add3A_695, %select_n3A_724 : i32
    %ne3A_726 = arith.constant 0 : i32
    %ne3A_727 = arith.cmpi ne, %rem3A_725, %ne3A_726 : i32
    %lt3A_728 = arith.constant 0 : i32
    %lt3A_729 = arith.cmpi slt, %rem3A_725, %lt3A_728 : i32
    %lt3A_730 = arith.constant 0 : i32
    %lt3A_731 = arith.cmpi slt, %select_n3A_724, %lt3A_730 : i32
    %ne3A_732 = arith.xori %lt3A_729, %lt3A_731 : i1
    %and3A_733 = arith.andi %ne3A_732, %ne3A_727 : i1
    %add3A_734 = arith.addi %rem3A_725, %select_n3A_724 : i32
    %select_n3A_735 = arith.select %and3A_733, %add3A_734, %rem3A_725 : i32
    %mul3A_736 = arith.constant 128 : i32
    %mul3A_737 = arith.muli %select_n3A_735, %mul3A_736 : i32
    %dma_wait3A_738 = arith.constant 0 : i32
    %dma_wait3A_739 = tpu.memref_slice %arg9[%select_n3A_719, %mul3A_737, %dma_wait3A_738] : memref<201x1024x128xf32, #tpu.memory_space<hbm>> -> memref<1x128x128xf32, #tpu.memory_space<hbm>>
    %dma_wait3A_740 = tpu.memref_squeeze %dma_wait3A_739 : memref<1x128x128xf32, #tpu.memory_space<hbm>> -> memref<128x128xf32, #tpu.memory_space<hbm>>
    %dma_wait3A_741 = arith.constant 0 : i32
    %dma_wait3A_742 = tpu.memref_slice %arg9[%select_n3A_719, %mul3A_737, %dma_wait3A_741] : memref<201x1024x128xf32, #tpu.memory_space<hbm>> -> memref<1x128x128xf32, #tpu.memory_space<hbm>>
    %dma_wait3A_743 = tpu.memref_squeeze %dma_wait3A_742 : memref<1x128x128xf32, #tpu.memory_space<hbm>> -> memref<128x128xf32, #tpu.memory_space<hbm>>
    tpu.wait_dma2 semaphore(%arg31 : memref<!tpu.dma_semaphore, #tpu.memory_space<semaphore_mem>>) src(%arg19 : memref<128x128xf32, #tpu.memory_space<vmem>>) dst(%dma_wait3A_743 : memref<128x128xf32, #tpu.memory_space<hbm>>)
    %add3A_744 = arith.constant 0 : i32
    %add3A_745 = arith.addi %add3A_4, %add3A_744 : i32
    %jit3A_746 = arith.constant 8 : i32
    %div3A_747 = arith.divsi %add3A_745, %jit3A_746 : i32
    %sign3A_748 = arith.constant 0 : i32
    %sign3A_749 = arith.cmpi sgt, %add3A_745, %sign3A_748 : i32
    %sign3A_750 = arith.extui %sign3A_749 : i1 to i32
    %sign3A_751 = arith.constant 0 : i32
    %sign3A_752 = arith.cmpi slt, %add3A_745, %sign3A_751 : i32
    %sign3A_753 = arith.extui %sign3A_752 : i1 to i32
    %sign3A_754 = arith.subi %sign3A_750, %sign3A_753 : i32
    %sign3A_755 = arith.constant 0 : i32
    %sign3A_756 = arith.cmpi sgt, %jit3A_746, %sign3A_755 : i32
    %sign3A_757 = arith.extui %sign3A_756 : i1 to i32
    %sign3A_758 = arith.constant 0 : i32
    %sign3A_759 = arith.cmpi slt, %jit3A_746, %sign3A_758 : i32
    %sign3A_760 = arith.extui %sign3A_759 : i1 to i32
    %sign3A_761 = arith.subi %sign3A_757, %sign3A_760 : i32
    %ne3A_762 = arith.cmpi ne, %sign3A_754, %sign3A_761 : i32
    %rem3A_763 = arith.remsi %add3A_745, %jit3A_746 : i32
    %ne3A_764 = arith.constant 0 : i32
    %ne3A_765 = arith.cmpi ne, %rem3A_763, %ne3A_764 : i32
    %and3A_766 = arith.andi %ne3A_762, %ne3A_765 : i1
    %sub3A_767 = arith.constant 1 : i32
    %sub3A_768 = arith.subi %div3A_747, %sub3A_767 : i32
    %select_n3A_769 = arith.select %and3A_766, %sub3A_768, %div3A_747 : i32
    %jit3A_770 = arith.constant 8 : i32
    %eq3A_771 = arith.constant 0 : i32
    %eq3A_772 = arith.cmpi eq, %jit3A_770, %eq3A_771 : i32
    %jit3A_773 = arith.constant 1 : i32
    %select_n3A_774 = arith.select %eq3A_772, %jit3A_773, %jit3A_770 : i32
    %rem3A_775 = arith.remsi %add3A_745, %select_n3A_774 : i32
    %ne3A_776 = arith.constant 0 : i32
    %ne3A_777 = arith.cmpi ne, %rem3A_775, %ne3A_776 : i32
    %lt3A_778 = arith.constant 0 : i32
    %lt3A_779 = arith.cmpi slt, %rem3A_775, %lt3A_778 : i32
    %lt3A_780 = arith.constant 0 : i32
    %lt3A_781 = arith.cmpi slt, %select_n3A_774, %lt3A_780 : i32
    %ne3A_782 = arith.xori %lt3A_779, %lt3A_781 : i1
    %and3A_783 = arith.andi %ne3A_782, %ne3A_777 : i1
    %add3A_784 = arith.addi %rem3A_775, %select_n3A_774 : i32
    %select_n3A_785 = arith.select %and3A_783, %add3A_784, %rem3A_775 : i32
    %mul3A_786 = arith.constant 128 : i32
    %mul3A_787 = arith.muli %select_n3A_785, %mul3A_786 : i32
    %dma_wait3A_788 = arith.constant 0 : i32
    %dma_wait3A_789 = tpu.memref_slice %arg9[%select_n3A_769, %mul3A_787, %dma_wait3A_788] : memref<201x1024x128xf32, #tpu.memory_space<hbm>> -> memref<1x128x128xf32, #tpu.memory_space<hbm>>
    %dma_wait3A_790 = tpu.memref_squeeze %dma_wait3A_789 : memref<1x128x128xf32, #tpu.memory_space<hbm>> -> memref<128x128xf32, #tpu.memory_space<hbm>>
    %dma_wait3A_791 = arith.constant 0 : i32
    %dma_wait3A_792 = tpu.memref_slice %arg9[%select_n3A_769, %mul3A_787, %dma_wait3A_791] : memref<201x1024x128xf32, #tpu.memory_space<hbm>> -> memref<1x128x128xf32, #tpu.memory_space<hbm>>
    %dma_wait3A_793 = tpu.memref_squeeze %dma_wait3A_792 : memref<1x128x128xf32, #tpu.memory_space<hbm>> -> memref<128x128xf32, #tpu.memory_space<hbm>>
    tpu.wait_dma2 semaphore(%arg32 : memref<!tpu.dma_semaphore, #tpu.memory_space<semaphore_mem>>) src(%arg20 : memref<128x128xf32, #tpu.memory_space<vmem>>) dst(%dma_wait3A_793 : memref<128x128xf32, #tpu.memory_space<hbm>>)
    %add3A_794 = arith.constant 0 : i32
    %add3A_795 = arith.addi %add3A_4, %add3A_794 : i32
    %jit3A_796 = arith.constant 8 : i32
    %div3A_797 = arith.divsi %add3A_795, %jit3A_796 : i32
    %sign3A_798 = arith.constant 0 : i32
    %sign3A_799 = arith.cmpi sgt, %add3A_795, %sign3A_798 : i32
    %sign3A_800 = arith.extui %sign3A_799 : i1 to i32
    %sign3A_801 = arith.constant 0 : i32
    %sign3A_802 = arith.cmpi slt, %add3A_795, %sign3A_801 : i32
    %sign3A_803 = arith.extui %sign3A_802 : i1 to i32
    %sign3A_804 = arith.subi %sign3A_800, %sign3A_803 : i32
    %sign3A_805 = arith.constant 0 : i32
    %sign3A_806 = arith.cmpi sgt, %jit3A_796, %sign3A_805 : i32
    %sign3A_807 = arith.extui %sign3A_806 : i1 to i32
    %sign3A_808 = arith.constant 0 : i32
    %sign3A_809 = arith.cmpi slt, %jit3A_796, %sign3A_808 : i32
    %sign3A_810 = arith.extui %sign3A_809 : i1 to i32
    %sign3A_811 = arith.subi %sign3A_807, %sign3A_810 : i32
    %ne3A_812 = arith.cmpi ne, %sign3A_804, %sign3A_811 : i32
    %rem3A_813 = arith.remsi %add3A_795, %jit3A_796 : i32
    %ne3A_814 = arith.constant 0 : i32
    %ne3A_815 = arith.cmpi ne, %rem3A_813, %ne3A_814 : i32
    %and3A_816 = arith.andi %ne3A_812, %ne3A_815 : i1
    %sub3A_817 = arith.constant 1 : i32
    %sub3A_818 = arith.subi %div3A_797, %sub3A_817 : i32
    %select_n3A_819 = arith.select %and3A_816, %sub3A_818, %div3A_797 : i32
    %jit3A_820 = arith.constant 8 : i32
    %eq3A_821 = arith.constant 0 : i32
    %eq3A_822 = arith.cmpi eq, %jit3A_820, %eq3A_821 : i32
    %jit3A_823 = arith.constant 1 : i32
    %select_n3A_824 = arith.select %eq3A_822, %jit3A_823, %jit3A_820 : i32
    %rem3A_825 = arith.remsi %add3A_795, %select_n3A_824 : i32
    %ne3A_826 = arith.constant 0 : i32
    %ne3A_827 = arith.cmpi ne, %rem3A_825, %ne3A_826 : i32
    %lt3A_828 = arith.constant 0 : i32
    %lt3A_829 = arith.cmpi slt, %rem3A_825, %lt3A_828 : i32
    %lt3A_830 = arith.constant 0 : i32
    %lt3A_831 = arith.cmpi slt, %select_n3A_824, %lt3A_830 : i32
    %ne3A_832 = arith.xori %lt3A_829, %lt3A_831 : i1
    %and3A_833 = arith.andi %ne3A_832, %ne3A_827 : i1
    %add3A_834 = arith.addi %rem3A_825, %select_n3A_824 : i32
    %select_n3A_835 = arith.select %and3A_833, %add3A_834, %rem3A_825 : i32
    %mul3A_836 = arith.constant 128 : i32
    %mul3A_837 = arith.muli %select_n3A_835, %mul3A_836 : i32
    %dma_wait3A_838 = arith.constant 0 : i32
    %dma_wait3A_839 = tpu.memref_slice %arg9[%select_n3A_819, %mul3A_837, %dma_wait3A_838] : memref<201x1024x128xf32, #tpu.memory_space<hbm>> -> memref<1x128x128xf32, #tpu.memory_space<hbm>>
    %dma_wait3A_840 = tpu.memref_squeeze %dma_wait3A_839 : memref<1x128x128xf32, #tpu.memory_space<hbm>> -> memref<128x128xf32, #tpu.memory_space<hbm>>
    %dma_wait3A_841 = arith.constant 0 : i32
    %dma_wait3A_842 = tpu.memref_slice %arg9[%select_n3A_819, %mul3A_837, %dma_wait3A_841] : memref<201x1024x128xf32, #tpu.memory_space<hbm>> -> memref<1x128x128xf32, #tpu.memory_space<hbm>>
    %dma_wait3A_843 = tpu.memref_squeeze %dma_wait3A_842 : memref<1x128x128xf32, #tpu.memory_space<hbm>> -> memref<128x128xf32, #tpu.memory_space<hbm>>
    tpu.wait_dma2 semaphore(%arg27 : memref<!tpu.dma_semaphore, #tpu.memory_space<semaphore_mem>>) src(%arg15 : memref<128x128xf32, #tpu.memory_space<vmem>>) dst(%dma_wait3A_843 : memref<128x128xf32, #tpu.memory_space<hbm>>)
    %add3A_844 = arith.constant 0 : i32
    %add3A_845 = arith.addi %add3A_4, %add3A_844 : i32
    %jit3A_846 = arith.constant 8 : i32
    %div3A_847 = arith.divsi %add3A_845, %jit3A_846 : i32
    %sign3A_848 = arith.constant 0 : i32
    %sign3A_849 = arith.cmpi sgt, %add3A_845, %sign3A_848 : i32
    %sign3A_850 = arith.extui %sign3A_849 : i1 to i32
    %sign3A_851 = arith.constant 0 : i32
    %sign3A_852 = arith.cmpi slt, %add3A_845, %sign3A_851 : i32
    %sign3A_853 = arith.extui %sign3A_852 : i1 to i32
    %sign3A_854 = arith.subi %sign3A_850, %sign3A_853 : i32
    %sign3A_855 = arith.constant 0 : i32
    %sign3A_856 = arith.cmpi sgt, %jit3A_846, %sign3A_855 : i32
    %sign3A_857 = arith.extui %sign3A_856 : i1 to i32
    %sign3A_858 = arith.constant 0 : i32
    %sign3A_859 = arith.cmpi slt, %jit3A_846, %sign3A_858 : i32
    %sign3A_860 = arith.extui %sign3A_859 : i1 to i32
    %sign3A_861 = arith.subi %sign3A_857, %sign3A_860 : i32
    %ne3A_862 = arith.cmpi ne, %sign3A_854, %sign3A_861 : i32
    %rem3A_863 = arith.remsi %add3A_845, %jit3A_846 : i32
    %ne3A_864 = arith.constant 0 : i32
    %ne3A_865 = arith.cmpi ne, %rem3A_863, %ne3A_864 : i32
    %and3A_866 = arith.andi %ne3A_862, %ne3A_865 : i1
    %sub3A_867 = arith.constant 1 : i32
    %sub3A_868 = arith.subi %div3A_847, %sub3A_867 : i32
    %select_n3A_869 = arith.select %and3A_866, %sub3A_868, %div3A_847 : i32
    %jit3A_870 = arith.constant 8 : i32
    %eq3A_871 = arith.constant 0 : i32
    %eq3A_872 = arith.cmpi eq, %jit3A_870, %eq3A_871 : i32
    %jit3A_873 = arith.constant 1 : i32
    %select_n3A_874 = arith.select %eq3A_872, %jit3A_873, %jit3A_870 : i32
    %rem3A_875 = arith.remsi %add3A_845, %select_n3A_874 : i32
    %ne3A_876 = arith.constant 0 : i32
    %ne3A_877 = arith.cmpi ne, %rem3A_875, %ne3A_876 : i32
    %lt3A_878 = arith.constant 0 : i32
    %lt3A_879 = arith.cmpi slt, %rem3A_875, %lt3A_878 : i32
    %lt3A_880 = arith.constant 0 : i32
    %lt3A_881 = arith.cmpi slt, %select_n3A_874, %lt3A_880 : i32
    %ne3A_882 = arith.xori %lt3A_879, %lt3A_881 : i1
    %and3A_883 = arith.andi %ne3A_882, %ne3A_877 : i1
    %add3A_884 = arith.addi %rem3A_875, %select_n3A_874 : i32
    %select_n3A_885 = arith.select %and3A_883, %add3A_884, %rem3A_875 : i32
    %mul3A_886 = arith.constant 128 : i32
    %mul3A_887 = arith.muli %select_n3A_885, %mul3A_886 : i32
    %dma_wait3A_888 = arith.constant 0 : i32
    %dma_wait3A_889 = tpu.memref_slice %arg9[%select_n3A_869, %mul3A_887, %dma_wait3A_888] : memref<201x1024x128xf32, #tpu.memory_space<hbm>> -> memref<1x128x128xf32, #tpu.memory_space<hbm>>
    %dma_wait3A_890 = tpu.memref_squeeze %dma_wait3A_889 : memref<1x128x128xf32, #tpu.memory_space<hbm>> -> memref<128x128xf32, #tpu.memory_space<hbm>>
    %dma_wait3A_891 = arith.constant 0 : i32
    %dma_wait3A_892 = tpu.memref_slice %arg9[%select_n3A_869, %mul3A_887, %dma_wait3A_891] : memref<201x1024x128xf32, #tpu.memory_space<hbm>> -> memref<1x128x128xf32, #tpu.memory_space<hbm>>
    %dma_wait3A_893 = tpu.memref_squeeze %dma_wait3A_892 : memref<1x128x128xf32, #tpu.memory_space<hbm>> -> memref<128x128xf32, #tpu.memory_space<hbm>>
    tpu.wait_dma2 semaphore(%arg28 : memref<!tpu.dma_semaphore, #tpu.memory_space<semaphore_mem>>) src(%arg16 : memref<128x128xf32, #tpu.memory_space<vmem>>) dst(%dma_wait3A_893 : memref<128x128xf32, #tpu.memory_space<hbm>>)
    %lt3A_894 = arith.constant 8 : i32
    %lt3A_895 = arith.cmpi slt, %add3A, %lt3A_894 : i32
    %convert_element_type3A = arith.extui %lt3A_895 : i1 to i32
    %cond3A = arith.constant 0 : i32
    %cond3A_896 = arith.cmpi ne, %convert_element_type3A, %cond3A : i32
    scf.if %cond3A_896 {
      %dma_start3A_903 = arith.constant 6400 : i32
      %dma_start3A_904 = tpu.memref_slice %arg14[%dma_start3A_903] : memref<6528xi32, #tpu.memory_space<vmem>> -> memref<128xi32, #tpu.memory_space<vmem>>
      %dma_start3A_905 = arith.constant 0 : i32
      %dma_start3A_906 = arith.constant 0 : i32
      %dma_start3A_907 = tpu.memref_slice %arg2[%dma_start3A_905, %dma_start3A_906] : memref<100000x128xf32, #tpu.memory_space<hbm>> -> memref<100000x128xf32, #tpu.memory_space<hbm>>
      tpu.enqueue_indirect_dma source(%dma_start3A_907 : memref<100000x128xf32, #tpu.memory_space<hbm>>) target(%arg15 : memref<128x128xf32, #tpu.memory_space<vmem>>) offsets(%dma_start3A_904 : memref<128xi32, #tpu.memory_space<vmem>>) semaphore(%arg21 : memref<!tpu.dma_semaphore, #tpu.memory_space<semaphore_mem>>)
      %dma_wait3A_908 = arith.constant 0 : i32
      %dma_wait3A_909 = tpu.memref_slice %arg14[%dma_wait3A_908] : memref<6528xi32, #tpu.memory_space<vmem>> -> memref<128xi32, #tpu.memory_space<vmem>>
      %dma_wait3A_910 = arith.constant 0 : i32
      %dma_wait3A_911 = arith.constant 0 : i32
      %dma_wait3A_912 = tpu.memref_slice %arg2[%dma_wait3A_910, %dma_wait3A_911] : memref<100000x128xf32, #tpu.memory_space<hbm>> -> memref<100000x128xf32, #tpu.memory_space<hbm>>
      tpu.wait_indirect_dma semaphore(%arg21 : memref<!tpu.dma_semaphore, #tpu.memory_space<semaphore_mem>>) src(%dma_wait3A_912 : memref<100000x128xf32, #tpu.memory_space<hbm>>) dst(%arg15 : memref<128x128xf32, #tpu.memory_space<vmem>>)
      %add3A_913 = arith.constant 50 : i32
      %add3A_914 = arith.addi %add3A_4, %add3A_913 : i32
      %jit3A_915 = arith.constant 8 : i32
      %div3A_916 = arith.divsi %add3A_914, %jit3A_915 : i32
      %sign3A_917 = arith.constant 0 : i32
      %sign3A_918 = arith.cmpi sgt, %add3A_914, %sign3A_917 : i32
      %sign3A_919 = arith.extui %sign3A_918 : i1 to i32
      %sign3A_920 = arith.constant 0 : i32
      %sign3A_921 = arith.cmpi slt, %add3A_914, %sign3A_920 : i32
      %sign3A_922 = arith.extui %sign3A_921 : i1 to i32
      %sign3A_923 = arith.subi %sign3A_919, %sign3A_922 : i32
      %sign3A_924 = arith.constant 0 : i32
      %sign3A_925 = arith.cmpi sgt, %jit3A_915, %sign3A_924 : i32
      %sign3A_926 = arith.extui %sign3A_925 : i1 to i32
      %sign3A_927 = arith.constant 0 : i32
      %sign3A_928 = arith.cmpi slt, %jit3A_915, %sign3A_927 : i32
      %sign3A_929 = arith.extui %sign3A_928 : i1 to i32
      %sign3A_930 = arith.subi %sign3A_926, %sign3A_929 : i32
      %ne3A_931 = arith.cmpi ne, %sign3A_923, %sign3A_930 : i32
      %rem3A_932 = arith.remsi %add3A_914, %jit3A_915 : i32
      %ne3A_933 = arith.constant 0 : i32
      %ne3A_934 = arith.cmpi ne, %rem3A_932, %ne3A_933 : i32
      %and3A_935 = arith.andi %ne3A_931, %ne3A_934 : i1
      %sub3A_936 = arith.constant 1 : i32
      %sub3A_937 = arith.subi %div3A_916, %sub3A_936 : i32
      %select_n3A_938 = arith.select %and3A_935, %sub3A_937, %div3A_916 : i32
      %jit3A_939 = arith.constant 8 : i32
      %eq3A_940 = arith.constant 0 : i32
      %eq3A_941 = arith.cmpi eq, %jit3A_939, %eq3A_940 : i32
      %jit3A_942 = arith.constant 1 : i32
      %select_n3A_943 = arith.select %eq3A_941, %jit3A_942, %jit3A_939 : i32
      %rem3A_944 = arith.remsi %add3A_914, %select_n3A_943 : i32
      %ne3A_945 = arith.constant 0 : i32
      %ne3A_946 = arith.cmpi ne, %rem3A_944, %ne3A_945 : i32
      %lt3A_947 = arith.constant 0 : i32
      %lt3A_948 = arith.cmpi slt, %rem3A_944, %lt3A_947 : i32
      %lt3A_949 = arith.constant 0 : i32
      %lt3A_950 = arith.cmpi slt, %select_n3A_943, %lt3A_949 : i32
      %ne3A_951 = arith.xori %lt3A_948, %lt3A_950 : i1
      %and3A_952 = arith.andi %ne3A_951, %ne3A_946 : i1
      %add3A_953 = arith.addi %rem3A_944, %select_n3A_943 : i32
      %select_n3A_954 = arith.select %and3A_952, %add3A_953, %rem3A_944 : i32
      %mul3A_955 = arith.constant 128 : i32
      %mul3A_956 = arith.muli %select_n3A_954, %mul3A_955 : i32
      "tpu.region"() ({
        %run_scoped3A = tpu.sem_alloc : memref<!tpu.dma_semaphore, #tpu.memory_space<semaphore_mem>>
        %dma_start3A_957 = arith.constant 0 : i32
        %dma_start3A_958 = tpu.memref_slice %arg9[%select_n3A_938, %mul3A_956, %dma_start3A_957] : memref<201x1024x128xf32, #tpu.memory_space<hbm>> -> memref<1x128x128xf32, #tpu.memory_space<hbm>>
        %dma_start3A_959 = tpu.memref_squeeze %dma_start3A_958 : memref<1x128x128xf32, #tpu.memory_space<hbm>> -> memref<128x128xf32, #tpu.memory_space<hbm>>
        %dma_start3A_960 = arith.constant 0 : i32
        %dma_start3A_961 = tpu.memref_slice %arg9[%select_n3A_938, %mul3A_956, %dma_start3A_960] : memref<201x1024x128xf32, #tpu.memory_space<hbm>> -> memref<1x128x128xf32, #tpu.memory_space<hbm>>
        %dma_start3A_962 = tpu.memref_squeeze %dma_start3A_961 : memref<1x128x128xf32, #tpu.memory_space<hbm>> -> memref<128x128xf32, #tpu.memory_space<hbm>>
        tpu.enqueue_dma source(%arg15 : memref<128x128xf32, #tpu.memory_space<vmem>>) target(%dma_start3A_962 : memref<128x128xf32, #tpu.memory_space<hbm>>) target_semaphore(%run_scoped3A : memref<!tpu.dma_semaphore, #tpu.memory_space<semaphore_mem>>)
        %dma_wait3A_963 = arith.constant 0 : i32
        %dma_wait3A_964 = tpu.memref_slice %arg9[%select_n3A_938, %mul3A_956, %dma_wait3A_963] : memref<201x1024x128xf32, #tpu.memory_space<hbm>> -> memref<1x128x128xf32, #tpu.memory_space<hbm>>
        %dma_wait3A_965 = tpu.memref_squeeze %dma_wait3A_964 : memref<1x128x128xf32, #tpu.memory_space<hbm>> -> memref<128x128xf32, #tpu.memory_space<hbm>>
        %dma_wait3A_966 = arith.constant 0 : i32
        %dma_wait3A_967 = tpu.memref_slice %arg9[%select_n3A_938, %mul3A_956, %dma_wait3A_966] : memref<201x1024x128xf32, #tpu.memory_space<hbm>> -> memref<1x128x128xf32, #tpu.memory_space<hbm>>
        %dma_wait3A_968 = tpu.memref_squeeze %dma_wait3A_967 : memref<1x128x128xf32, #tpu.memory_space<hbm>> -> memref<128x128xf32, #tpu.memory_space<hbm>>
        tpu.wait_dma2 semaphore(%run_scoped3A : memref<!tpu.dma_semaphore, #tpu.memory_space<semaphore_mem>>) src(%arg15 : memref<128x128xf32, #tpu.memory_space<vmem>>) dst(%dma_wait3A_968 : memref<128x128xf32, #tpu.memory_space<hbm>>)
        tpu.yield
      }) : () -> ()
    } else {
    }
    %dma_wait3A_897 = arith.constant 0 : i32
    %dma_wait3A_898 = arith.constant 0 : i32
    %dma_wait3A_899 = tpu.memref_slice %arg2[%dma_wait3A_897, %dma_wait3A_898] : memref<100000x128xf32, #tpu.memory_space<hbm>> -> memref<100000x128xf32, #tpu.memory_space<hbm>>
    tpu.wait_indirect_dma semaphore(%arg34 : memref<!tpu.dma_semaphore, #tpu.memory_space<semaphore_mem>>) src(%dma_wait3A_899 : memref<100000x128xf32, #tpu.memory_space<hbm>>) dst(%arg12 : memref<32x128xf32, #tpu.memory_space<vmem>>)
    "tpu.region"() ({
      %run_scoped3A = tpu.sem_alloc : memref<!tpu.dma_semaphore, #tpu.memory_space<semaphore_mem>>
      %dma_start3A_903 = arith.constant 0 : i32
      %dma_start3A_904 = tpu.memref_slice %arg7[%mul3A_9, %dma_start3A_903] : memref<1024x128xf32, #tpu.memory_space<hbm>> -> memref<32x128xf32, #tpu.memory_space<hbm>>
      %dma_start3A_905 = arith.constant 0 : i32
      %dma_start3A_906 = tpu.memref_slice %arg7[%mul3A_9, %dma_start3A_905] : memref<1024x128xf32, #tpu.memory_space<hbm>> -> memref<32x128xf32, #tpu.memory_space<hbm>>
      tpu.enqueue_dma source(%arg12 : memref<32x128xf32, #tpu.memory_space<vmem>>) target(%dma_start3A_906 : memref<32x128xf32, #tpu.memory_space<hbm>>) target_semaphore(%run_scoped3A : memref<!tpu.dma_semaphore, #tpu.memory_space<semaphore_mem>>)
      %dma_wait3A_907 = arith.constant 0 : i32
      %dma_wait3A_908 = tpu.memref_slice %arg7[%mul3A_9, %dma_wait3A_907] : memref<1024x128xf32, #tpu.memory_space<hbm>> -> memref<32x128xf32, #tpu.memory_space<hbm>>
      %dma_wait3A_909 = arith.constant 0 : i32
      %dma_wait3A_910 = tpu.memref_slice %arg7[%mul3A_9, %dma_wait3A_909] : memref<1024x128xf32, #tpu.memory_space<hbm>> -> memref<32x128xf32, #tpu.memory_space<hbm>>
      tpu.wait_dma2 semaphore(%run_scoped3A : memref<!tpu.dma_semaphore, #tpu.memory_space<semaphore_mem>>) src(%arg12 : memref<32x128xf32, #tpu.memory_space<vmem>>) dst(%dma_wait3A_910 : memref<32x128xf32, #tpu.memory_space<hbm>>)
      tpu.yield
    }) : () -> ()
    %dma_wait3A_900 = arith.constant 0 : i32
    %dma_wait3A_901 = arith.constant 0 : i32
    %dma_wait3A_902 = tpu.memref_slice %arg3[%dma_wait3A_900, %dma_wait3A_901] : memref<1000x128xf32, #tpu.memory_space<hbm>> -> memref<1000x128xf32, #tpu.memory_space<hbm>>
    tpu.wait_indirect_dma semaphore(%arg35 : memref<!tpu.dma_semaphore, #tpu.memory_space<semaphore_mem>>) src(%dma_wait3A_902 : memref<1000x128xf32, #tpu.memory_space<hbm>>) dst(%arg13 : memref<32x128xf32, #tpu.memory_space<vmem>>)
    "tpu.region"() ({
      %run_scoped3A = tpu.sem_alloc : memref<!tpu.dma_semaphore, #tpu.memory_space<semaphore_mem>>
      %dma_start3A_903 = arith.constant 0 : i32
      %dma_start3A_904 = tpu.memref_slice %arg8[%mul3A_9, %dma_start3A_903] : memref<1024x128xf32, #tpu.memory_space<hbm>> -> memref<32x128xf32, #tpu.memory_space<hbm>>
      %dma_start3A_905 = arith.constant 0 : i32
      %dma_start3A_906 = tpu.memref_slice %arg8[%mul3A_9, %dma_start3A_905] : memref<1024x128xf32, #tpu.memory_space<hbm>> -> memref<32x128xf32, #tpu.memory_space<hbm>>
      tpu.enqueue_dma source(%arg13 : memref<32x128xf32, #tpu.memory_space<vmem>>) target(%dma_start3A_906 : memref<32x128xf32, #tpu.memory_space<hbm>>) target_semaphore(%run_scoped3A : memref<!tpu.dma_semaphore, #tpu.memory_space<semaphore_mem>>)
      %dma_wait3A_907 = arith.constant 0 : i32
      %dma_wait3A_908 = tpu.memref_slice %arg8[%mul3A_9, %dma_wait3A_907] : memref<1024x128xf32, #tpu.memory_space<hbm>> -> memref<32x128xf32, #tpu.memory_space<hbm>>
      %dma_wait3A_909 = arith.constant 0 : i32
      %dma_wait3A_910 = tpu.memref_slice %arg8[%mul3A_9, %dma_wait3A_909] : memref<1024x128xf32, #tpu.memory_space<hbm>> -> memref<32x128xf32, #tpu.memory_space<hbm>>
      tpu.wait_dma2 semaphore(%run_scoped3A : memref<!tpu.dma_semaphore, #tpu.memory_space<semaphore_mem>>) src(%arg13 : memref<32x128xf32, #tpu.memory_space<vmem>>) dst(%dma_wait3A_910 : memref<32x128xf32, #tpu.memory_space<hbm>>)
      tpu.yield
    }) : () -> ()
    return
  }
}

</mosaic_0001>

<sc_bundles>
// kernel: kernel.3.cloned.1.call-start
scs
__scs_entry_jumppad:
0x0: {  	(pc) =	sbr.rel $0x88, $3  }
0x1: {  	(tag) =	ssettag $0x0;
	lr =	simm.s32 $0x1  }
0x2: {  	[smem:$0x3F9D] =	sst lr;
	_ =	strace $0xD0000000  }
0x3: {  	_ = 	snop  }
0x4: {  	_ = 	snop  }
0x5: {  	_ = 	snop  }
0x6: {  	_ = 	snop  }
0x7: {  	_ = 	snop  }
__scs_overlays_trampoline_lowered:
0x8: {  	[smem:$0x3FAC] =	sst s0  }
0x9: {  	[smem:$0x3FAD] =	sst s1  }
0xa: {  	[smem:$0x3FAE] =	sst s2  }
0xb: {  	[smem:$0x3FAF] =	sst s3  }
0xc: {  	[smem:$0x3FB0] =	sst s4  }
0xd: {  	[smem:$0x3FB1] =	sst s5  }
0xe: {  	[smem:$0x3FB2] =	sst s6  }
0xf: {  	[smem:$0x3FB3] =	sst s7  }
0x10: {  	[smem:$0x3FB4] =	sst s8  }
0x11: {  	[smem:$0x3FB5] =	sst s9;
	s0 =	simm.s32 @!p0 $0x0  }
0x12: {  	s1 =	sld [smem:$0x3F9B];
	s0 =	simm.s32 @p0 $0x1  }
0x13: {  	[smem:$0x3FB6] =	sst s0;
	s0 =	simm.s32 @!p1 $0x0  }
0x14: {  	s2 =	sld [smem:$0x3F9A];
	s0 =	simm.s32 @p1 $0x1  }
0x15: {  	[smem:$0x3FB7] =	sst s0;
	s0 =	simm.s32 @!p2 $0x0  }
0x16: {  	s3 =	sld [smem:$0x3FDB];
	s0 =	simm.s32 @p2 $0x1  }
0x17: {  	s4 =	simm.s32 $0x1BF5;
	[smem:$0x3FB9] =	sst s0  }
0x18: {  	s0 =	sld [smem:$0x3F9C];
	_ =	swait.ge [sflag:s4], $0x0  }
0x19: {  	s7 =	sld [smem:$0x3F9D]  }
0x1a: {  	s8 =	sadd.s32 $0xFFFFE003, lr  }
0x1b: {  	s9 =	sadd.s32 $0xFFFFFEF7, lr;
	s5 =	simm.s32 $0xFFFFFFFF;
	p2 =	slt.u32 s8, $0xFFFFF086  }
0x1c: {  	p1 =	slt.u32 s9, $0xF7A;
	s5 =	simm.s32 @!p2 $0x0  }
0x1d: {  	s5 =	simm.s32 @p1 $0x1;
	p0 =	seq.s32 s7, s2  }
0x1e: {  	s7 =	smul.u32 @!p0 $0xF7A, s2;
	p2 =	seq.s32 @!p0 s5, $0x0  }
0x1f: {  	s9 =	smul.u32 $0xF7A, s1;
	s8 =	simm.s32 @!p0 $0x1BF5;
	p2 =	por !p2, p0  }
0x20: {  	[sflag:s8] =	ssyncset.s32 @!p0 $0xFFFFF086;
	s6 =	sadd.s32 @!p0 s3, s7;
	s7 =	simm.s32 @!p0 $0x108  }
0x21: {  	s3 =	sadd.s32 s3, s9;
	s6 =	sadd.s32 @!p0 $0x88, s6;
	s7 =	simm.s32 @p2 $0x1082  }
0x22: {  	[simem:s7], [sflag:s8] =	dma.local @!p0 [hbm:s6], $0xF7A  }
0x23: {  	s9 =	sor.u32 $0xD0000000, s2;
	s6 =	simm.s32 $0x108;
	_ =	swait.ge @!p0 [sflag:s8], $0x0  }
0x24: {  	s3 =	sadd.s32 $0x88, s3;
	s6 =	simm.s32 @!p1 $0x1082;
	[sflag:s4] =	ssyncset.s32 $0xFFFFF086  }
0x25: {  	[simem:s6], [sflag:s4] =	dma.local [hbm:s3], $0xF7A  }
0x26: {  	[smem:$0x3F9D] =	sst s1;
	(tag) =	ssettag s2;
	_ =	strace s9  }
0x27: {  	s1 =	sld [smem:$0x3FAD]  }
0x28: {  	s2 =	sld [smem:$0x3FAE]  }
0x29: {  	s4 =	sld [smem:$0x3FB0]  }
0x2a: {  	p0 =	seq.s32 s5, $0x0;
	s5 =	sld [smem:$0x3FB1]  }
0x2b: {  	s6 =	sld [smem:$0x3FB2]  }
0x2c: {  	s7 =	sld [smem:$0x3FB3]  }
0x2d: {  	s3 =	simm.s32 $0x108;
	s8 =	sld [smem:$0x3FB4]  }
0x2e: {  	s3 =	simm.s32 @!p0 $0x1082;
	s9 =	sld [smem:$0x3FB5]  }
0x2f: {  	lr =	sadd.s32 s0, s3;
	s0 =	sld [smem:$0x3FAC]  }
0x30: {  	s3 =	sld [smem:$0x3FAF]  }
0x31: {  	[smem:$0x3FB8] =	sst s10  }
0x32: {  	s10 =	sld [smem:$0x3FB6];
	_ =	sdelay $0x3  }
0x33: {  	p0 =	seq.s32 s10, $0x1;
	s10 =	sld [smem:$0x3FB8];
	_ =	sdelay $0x3  }
0x34: {  	[smem:$0x3FB8] =	sst s10  }
0x35: {  	s10 =	sld [smem:$0x3FB7];
	_ =	sdelay $0x3  }
0x36: {  	p1 =	seq.s32 s10, $0x1;
	s10 =	sld [smem:$0x3FB8];
	_ =	sdelay $0x3  }
0x37: {  	[smem:$0x3FB8] =	sst s10  }
0x38: {  	s10 =	sld [smem:$0x3FB9]  }
0x39: {  	_ = 	snop;
	(pc) =	sbr.ind lr, $3  }
0x3a: {  	_ = 	snop  }
0x3b: {  	_ = 	snop  }
0x3c: {  	p2 =	seq.s32 s10, $0x1;
	s10 =	sld [smem:$0x3FB8]  }
0x3d: {  	_ =	shalt  }
0x3e: {  	_ =	shalt  }
0x3f: {  	_ =	shalt  }
0x40: {  	_ =	shalt  }
0x41: {  	_ =	shalt  }
0x42: {  	_ =	shalt  }
0x43: {  	_ =	shalt  }
0x44: {  	_ =	shalt  }
0x45: {  	_ =	shalt  }
0x46: {  	_ =	shalt  }
0x47: {  	_ =	shalt  }
0x48: {  	_ =	shalt  }
0x49: {  	_ =	shalt  }
0x4a: {  	_ =	shalt  }
0x4b: {  	_ =	shalt  }
0x4c: {  	_ =	shalt  }
0x4d: {  	_ =	shalt  }
0x4e: {  	_ =	shalt  }
0x4f: {  	_ =	shalt  }
0x50: {  	_ =	shalt  }
0x51: {  	_ =	shalt  }
0x52: {  	_ =	shalt  }
0x53: {  	_ =	shalt  }
0x54: {  	_ =	shalt  }
0x55: {  	_ =	shalt  }
0x56: {  	_ =	shalt  }
0x57: {  	_ =	shalt  }
0x58: {  	_ =	shalt  }
0x59: {  	_ =	shalt  }
0x5a: {  	_ =	shalt  }
0x5b: {  	_ =	shalt  }
0x5c: {  	_ =	shalt  }
0x5d: {  	_ =	shalt  }
0x5e: {  	_ =	shalt  }
0x5f: {  	_ =	shalt  }
0x60: {  	_ =	shalt  }
0x61: {  	_ =	shalt  }
0x62: {  	_ =	shalt  }
0x63: {  	_ =	shalt  }
0x64: {  	_ =	shalt  }
0x65: {  	_ =	shalt  }
0x66: {  	_ =	shalt  }
0x67: {  	_ =	shalt  }
0x68: {  	_ =	shalt  }
0x69: {  	_ =	shalt  }
0x6a: {  	_ =	shalt  }
0x6b: {  	_ =	shalt  }
0x6c: {  	_ =	shalt  }
0x6d: {  	_ =	shalt  }
0x6e: {  	_ =	shalt  }
0x6f: {  	_ =	shalt  }
0x70: {  	_ =	shalt  }
0x71: {  	_ =	shalt  }
0x72: {  	_ =	shalt  }
0x73: {  	_ =	shalt  }
0x74: {  	_ =	shalt  }
0x75: {  	_ =	shalt  }
0x76: {  	_ =	shalt  }
0x77: {  	_ =	shalt  }
0x78: {  	_ =	shalt  }
0x79: {  	_ =	shalt  }
0x7a: {  	_ =	shalt  }
0x7b: {  	_ =	shalt  }
0x7c: {  	_ =	shalt  }
0x7d: {  	_ =	shalt  }
0x7e: {  	_ =	shalt  }
0x7f: {  	_ =	shalt  }
0x80: {  	_ =	shalt  }
0x81: {  	_ =	shalt  }
0x82: {  	_ =	shalt  }
0x83: {  	_ =	shalt  }
0x84: {  	_ =	shalt  }
0x85: {  	_ =	shalt  }
0x86: {  	_ =	shalt  }
0x87: {  	_ =	shalt  }
.Lfunc_end0:
.L_simem_size_0:
called_computation_lowered:
.L_overlay_start_0:
0x88: {  	s2 =	sld [smem:$0x3FD9]  }
0x89: {  	s3 =	sld [smem:$0x3FFE];
	_ =	sdelay $0x1  }
0x8a: {  	s1 =	srdreg.scid  }
0x8b: {  	s0 =	sand.u32 $0x1, s1  }
0x8c: {  	s14 =	sshll.u32 s0, $0xA;
	s2 =	sadd.s32 s3, s2  }
0x8d: {  	s2 =	sadd.s32 s2, s14  }
0x8e: {  	[smem:$0x3FC4] =	sst s2  }
0x8f: {  	_ = 	snop  }
0x90: {  	s2 =	sld [smem:$0x3FD0];
	_ =	sdelay $0x1  }
0x91: {  	s15 =	sld [smem:$0x3FC7]  }
0x92: {  	s5 =	simm.s32 $0xA;
	s6 =	simm.s32 $0x10;
	s4 =	sld [smem:$0x3FC6]  }
0x93: {  	[smem:s6], [sflag:s5] =	dma.local [hbm:s2], $0x1  }
0x94: {  	_ =	swait.eq [sflag:s5], $0x1  }
0x95: {  	s16 =	sld [smem:$0x10];
	[sflag:s5] =	ssyncset.done $0x0  }
0x96: {  	s17 =	sld [smem:$0x11];
	[sflag:s5] =	ssyncadd.s32 $0xFFFFFFFF  }
0x97: {  	s18 =	sld [smem:$0x12];
	(tm) =	ssettm $0x1  }
0x98: {  	s7 =	sld [smem:$0x3FFB];
	_ =	sdelay $0x3  }
0x99: {  	_ =	strace s7  }
0x9a: {  	s7 =	sld [smem:$0x3FFC];
	_ =	sdelay $0x3  }
0x9b: {  	_ =	strace s7  }
0x9c: {  	s7 =	sld [smem:$0x3FFD];
	_ =	sdelay $0x3  }
0x9d: {  	_ =	strace s7  }
0x9e: {  	_ =	strace $0x8FFFFFFF  }
0x9f: {  	s19 =	sld [smem:$0x3FDB];
	_ =	sdelay $0x1  }
0xa0: {  	s8 =	simm.s32 $_scs_section_size  }
0xa1: {  	s9 =	simm.s32 $_size__tile_overlayer_lowered;
	s10 =	simm.s32 $_tile_overlayer_lowered  }
0xa2: {  	s22 =	simm.s32 $0x1BFF;
	s21 =	sshll.u32 s10, $0x1;
	s7 =	sadd.s32 s8, s19  }
0xa3: {  	s11 =	simm.s32 $0x0;
	s20 =	sshll.u32 s9, $0x1;
	s9 =	sadd.s32 s21, s7  }
0xa4: {  	[timem:s11], [sflag:s22] =	dma.local [hbm:s9], s20  }
0xa5: {  	_ =	swait.ge [sflag:s22], s20  }
0xa6: {  	s8 =	ssub.s32 $0x0, s20;
	[sflag:s22] =	ssyncset.done $0x0  }
0xa7: {  	[sflag:s22] =	ssyncadd.s32 s8;
	_ =	sdelay $0x1  }
0xa8: {  	s23 =	simm.s32 $0x1B8B  }
0xa9: {  	_ =	swait.ge [sflag:s23], $0x1  }
0xaa: {  	[sflag:s23] =	ssyncset.done $0x0  }
0xab: {  	s25 =	simm.s32 $0x1B8E;
	s24 =	sld [smem:$0x3FFE];
	[sflag:s23] =	ssyncadd.s32 $0xFFFFFFFF  }
0xac: {  	s26 =	simm.s32 $execute0_lowered;
	[smem:$0x3FD2] =	sst s25  }
0xad: {  	s9 =	sshll.u32 s26, $0x1;
	_ =	strace $0x80000046;
	[dreg:$0x1] =	wrdreg $0xFFFFFFFF  }
0xae: {  	s28 =	simm.s32 $_size_execute0_lowered;
	s7 =	sadd.s32 s7, s9;
	[dreg:$0x0] =	wrdreg $0x0  }
0xaf: {  	s9 =	sshll.u32 s28, $0x1;
	[dreg:$0x2] =	wrdreg s7  }
0xb0: {  	[dreg:$0x3] =	wrdreg s9  }
0xb1: {  	[dreg:$0x4] =	wrdreg $0xC0  }
0xb2: {  	_ =	task [dreg:s11], $0x5FFFF  }
0xb3: {  	[dreg:$0x1] =	wrdreg $0xFFFFFFFF  }
0xb4: {  	[dreg:$0x0] =	wrdreg $0x60  }
0xb5: {  	[dreg:$0x2] =	wrdreg s15  }
0xb6: {  	[dreg:$0x3] =	wrdreg s4  }
0xb7: {  	[dreg:$0x4] =	wrdreg s24  }
0xb8: {  	[dreg:$0x5] =	wrdreg s16  }
0xb9: {  	[dreg:$0x6] =	wrdreg s17  }
0xba: {  	[dreg:$0x7] =	wrdreg s18  }
0xbb: {  	[dreg:$0x8] =	wrdreg $0x9  }
0xbc: {  	_ =	task.clear_ibuf [dreg:s11], $0x9FFFF;
	_ =	strace $0x90000046  }
0xbd: {  	s29 =	simm.s32 $0x9;
	_ =	strace $0x80000048  }
0xbe: {  	_ =	swait.ge [sflag:s29], $0x1  }
0xbf: {  	[sflag:s29] =	ssyncadd.s32 $0xFFFFFFFF  }
0xc0: {  	_ =	strace $0x90000048  }
0xc1: {  	_ =	sfence  }
0xc2: {  	s30 =	sld [smem:$0x0];
	_ =	sdelay $0x2  }
0xc3: {  	s31 =	sshll.u32 s1, $0xD;
	s1 =	sshrl.u32 s1, $0x2  }
0xc4: {  	s3 =	sand.u32 $0x4000, s31;
	s1 =	sadd.s32 s1, s30  }
0xc5: {  	s0 =	sor.u32 s3, s0;
	s1 =	sshll.u32 s1, $0x11  }
0xc6: {  	s0 =	sor.u32 s1, s0  }
0xc7: {  	s0 =	sadd.s32 $0x8F2B, s0  }
0xc8: {  	[sflag:s0] =	ssyncadd.remote.s32 $0x1  }
0xc9: {  	_ =	sfence.sel $0xFFFF  }
0xca: {  	[dreg:$0x0] =	wrdreg $0xFFFFFFFF;
	(pc) =	sbr.abs _section_cstart, $3  }
0xcb: {  	[dreg:$0x1] =	wrdreg $0xFFFFFFFF  }
0xcc: {  	_ =	task.clear_ibuf [dreg:s11], $0x2FFFF;
	_ =	strace $0x9FFFFFFF  }
0xcd: {  	(tm) =	ssettm $0x7FFFFFFF  }
tec
execute0_lowered:
.L_overlay_start_1:
0x0: {  	(tag) =	ssettag $0x1  }
0x1: {  	s0 =	rddreg [dreg:$0x0]  }
0x2: {  	s1 =	rddreg [dreg:$0x2]  }
0x3: {  	s2 =	rddreg [dreg:$0x3]  }
0x4: {  	s3 =	srdreg.scid;
	s5 =	rddreg [dreg:$0x4]  }
0x5: {  	s14 =	stileid.u32;
	s6 =	rddreg [dreg:$0x5];
	s31 =	simm.s32 $0x80  }
0x6: {  	s29 =	simm.s32 $0xC;
	s3 =	sand.u32 $0x1, s3;
	s4 =	sshll.u32 s14, $0x1  }
0x7: {  	s7 =	sor.u32 s3, s4;
	s12 =	ssub.s32 $0x2, s3;
	s3 =	smul.u32 $0x32, s3  }
0x8: {  	p0 =	sgt.u32 s14, $0x3;
	s4 =	simm.s32 $0x0;
	s8 =	smul.u32 $0x32, s7  }
0x9: {  	[smem:$0x7FF] =	sst s4;
	s9 =	smin.u32 s7, $0x8;
	s10 =	sshll.u32 s7, $0x2  }
0xa: {  	s24 =	sshrl.u32 s12, $0x1;
	s7 =	sshll.u32 s7, $0x9;
	_ =	strace $0x80000047  }
0xb: {  	s10 =	sadd.s32 s10, s1;
	s20 =	sadd.s32 s2, s7;
	s22 =	sadd.s32 s5, s7  }
0xc: {  	s2 =	simm.s32 $0x3A80;
	s5 =	simm.s32 $0x7A80;
	[dreg:$0x13] =	wrdreg s20  }
0xd: {  	s7 =	simm.s32 $0x1;
	s26 =	sadd.s32 $0xC00, s10;
	[dreg:$0x14] =	wrdreg s22  }
0xe: {  	s8 =	sadd.s32 s9, s8;
	s10 =	sadd.s32 $0xA00, s10;
	[dreg:$0x8] =	wrdreg s26  }
0xf: {  	s11 =	sshll.u32 s8, $0x4;
	s13 =	sshll.u32 s8, $0xB;
	[dreg:$0x9] =	wrdreg s10  }
0x10: {  	s8 =	sshll.u32 s8, $0xE;
	s10 =	simm.s32 $0x13A80;
	s1 =	sadd.s32 s11, s1  }
0x11: {  	s11 =	ssub.s32 s12, s24;
	s25 =	sand.u32 $0x3800, s13;
	s28 =	sand.u32 $0x7FC000, s13  }
0x12: {  	s30 =	sadd.s32 s13, s6;
	s13 =	smul.u32 $0x64, s14;
	s1 =	sadd.s32 $0xE00, s1  }
0x13: {  	s8 =	sadd.s32 $0xC0000, s8;
	s12 =	sadd.s32 $0x800, s30;
	[dreg:$0x7] =	wrdreg s1  }
0x14: {  	s14 =	simm.s32 $0x7;
	s15 =	sadd.s32 $0x1000, s30;
	[dreg:$0xb] =	wrdreg s12  }
0x15: {  	s16 =	sadd.s32 $0x16800, s30;
	s17 =	sadd.s32 $0x17000, s30;
	[dreg:$0xc] =	wrdreg s15  }
0x16: {  	s8 =	sshrl.u32 s8, $0x3;
	s18 =	sadd.s32 $0x17800, s30;
	[dreg:$0xd] =	wrdreg s16  }
0x17: {  	s19 =	sadd.s32 $0x18800, s30;
	s23 =	smax.u32 s11, $0x1;
	[dreg:$0xe] =	wrdreg s17  }
0x18: {  	s11 =	simm.s32 $0x3;
	s1 =	sadd.s32 s6, s25;
	[dreg:$0xf] =	wrdreg s18  }
0x19: {  	s8 =	sadd.s32 s6, s8;
	s3 =	sadd.s32 s3, s13;
	[dreg:$0x11] =	wrdreg s19  }
0x1a: {  	[dreg:$0x15] =	wrdreg s23;
	s23 =	simm.s32 $0x100;
	s12 =	simm.s32 $0x17A80  }
0x1b: {  	s13 =	simm.s32 $0x4;
	s1 =	sadd.s32 s28, s1;
	s3 =	sadd.s32 s9, s3  }
0x1c: {  	[dreg:$0xa] =	wrdreg s1;
	s1 =	sadd.s32 $0x19000, s30;
	s21 =	sshll.u32 s3, $0xB  }
0x1d: {  	s15 =	simm.s32 $0x5;
	[dreg:$0x12] =	wrdreg s1;
	s1 =	sadd.s32 s21, s6  }
0x1e: {  	s16 =	simm.s32 $0x8;
	[dreg:$0x10] =	wrdreg s8;
	s24 =	sadd.s32 $0x2800, s1  }
0x1f: {  	s17 =	simm.s32 $0x6;
	s25 =	sadd.s32 $0x2000, s1;
	[dreg:$0x16] =	wrdreg s24  }
0x20: {  	s18 =	simm.s32 $0x9;
	s26 =	sadd.s32 $0x1800, s1;
	[dreg:$0x17] =	wrdreg s25  }
0x21: {  	s19 =	simm.s32 $0xA;
	s28 =	sadd.s32 $0x4000, s1;
	[dreg:$0x18] =	wrdreg s26  }
0x22: {  	s8 =	simm.s32 $0xFA80;
	s30 =	sadd.s32 $0x3800, s1;
	[dreg:$0x19] =	wrdreg s28  }
0x23: {  	s9 =	simm.s32 $0x2;
	s1 =	sadd.s32 $0x3000, s1;
	[dreg:$0x1a] =	wrdreg s30  }
0x24: {  	s21 =	simm.s32 $0x10;
	s6 =	simm.s32 $0xBA80;
	[dreg:$0x1b] =	wrdreg s1  }
0x25: {  	s24 =	simm.s32 $0x1100;
	s26 =	simm.s32 $0xB;
	s1 =	simm.s32 $0x0  }
.LBB2_1:
0x26: {  	s3 =	rddreg [dreg:$0x7];
	s20 =	simm.s32 $0x2100  }
0x27: {  	[tilespmem:s20], [sflag:$0xD] =	stream.linear.gather [hbm4b:s3+s4], $0x1980, $0x38;
	[tilespmem:$0x1BA80] =	vst v63  }
0x28: {  	s22 =	rddreg [dreg:$0x8]  }
0x29: {  	[tilespmem:s4], [sflag:$0x10] =	stream.linear.gather [hbm4b:s22+s4], $0x20, $0x38;
	[tilespmem:$0x1BA80] =	vst v63  }
0x2a: {  	_ =	swait.ge [sflag:s21], $0x20  }
0x2b: {  	[sflag:s21] =	ssyncset.done $0x0  }
0x2c: {  	s22 =	simm.s32 $0x20;
	[sflag:s21] =	ssyncadd.s32 $0xFFFFFFE0  }
0x2d: {  	[tilespmem:s23], [sflag:$0xE] =	stream.indirect.gather [hbm4b:s0+s22], $0x80, s4, s22, $0xb8;
	[tilespmem:$0x1BA80] =	vst v63  }
0x2e: {  	s23 =	rddreg [dreg:$0x9]  }
0x2f: {  	[tilespmem:s31], [sflag:$0x10] =	stream.linear.gather [hbm4b:s23+s4], $0x20, $0x38;
	[tilespmem:$0x1BA80] =	vst v63  }
0x30: {  	_ =	swait.ge [sflag:s21], $0x20  }
0x31: {  	[sflag:s21] =	ssyncset.done $0x0  }
0x32: {  	[sflag:s21] =	ssyncadd.s32 $0xFFFFFFE0  }
0x33: {  	s28 =	simm.s32 $0xD;
	s25 =	rddreg [dreg:$0x1]  }
0x34: {  	[tilespmem:s24], [sflag:$0xF] =	stream.indirect.gather [hbm4b:s25+s22], $0x80, s31, s22, $0xb8;
	[tilespmem:$0x1BA80] =	vst v63  }
0x35: {  	_ =	swait.ge [sflag:s28], $0x1980  }
0x36: {  	[sflag:s28] =	ssyncset.done $0x0  }
0x37: {  	[sflag:s28] =	ssyncadd.s32 $0xFFFFE680  }
0x38: {  	[tilespmem:s2], [sflag:$0x1] =	stream.indirect.gather [hbm4b:s0+s31], $0x80, s20, s31, $0xb8;
	[tilespmem:$0x1BA80] =	vst v63  }
0x39: {  	s21 =	simm.s32 $0x2180  }
0x3a: {  	[tilespmem:s5], [sflag:$0x2] =	stream.indirect.gather [hbm4b:s0+s31], $0x80, s21, s31, $0xb8;
	[tilespmem:$0x1BA80] =	vst v63  }
0x3b: {  	s22 =	simm.s32 $0x2200  }
0x3c: {  	[tilespmem:s6], [sflag:$0x3] =	stream.indirect.gather [hbm4b:s0+s31], $0x80, s22, s31, $0xb8;
	[tilespmem:$0x1BA80] =	vst v63  }
0x3d: {  	_ =	swait.ge [sflag:s7], $0x4000  }
0x3e: {  	[sflag:s7] =	ssyncset.done $0x0  }
0x3f: {  	s23 =	rddreg [dreg:$0xa];
	[sflag:s7] =	ssyncadd.s32 $0xFFFFC000  }
0x40: {  	[hbm4b:s23+s4] =	stream.linear.scatter [tilespmem:s2], [sflag:$0x7], $0x4000, $0x38;
	[tilespmem:$0x1BA80] =	vst v63  }
0x41: {  	s24 =	simm.s32 $0x2280  }
0x42: {  	[tilespmem:s8], [sflag:$0x4] =	stream.indirect.gather [hbm4b:s0+s31], $0x80, s24, s31, $0xb8;
	[tilespmem:$0x1BA80] =	vst v63  }
0x43: {  	_ =	swait.ge [sflag:s9], $0x4000  }
0x44: {  	[sflag:s9] =	ssyncset.done $0x0  }
0x45: {  	s25 =	rddreg [dreg:$0xb];
	[sflag:s9] =	ssyncadd.s32 $0xFFFFC000  }
0x46: {  	[hbm4b:s25+s4] =	stream.linear.scatter [tilespmem:s5], [sflag:$0x8], $0x4000, $0x38;
	[tilespmem:$0x1BA80] =	vst v63  }
0x47: {  	s28 =	simm.s32 $0x2300  }
0x48: {  	[tilespmem:s10], [sflag:$0x5] =	stream.indirect.gather [hbm4b:s0+s31], $0x80, s28, s31, $0xb8;
	[tilespmem:$0x1BA80] =	vst v63  }
0x49: {  	_ =	swait.ge [sflag:s11], $0x4000  }
0x4a: {  	[sflag:s11] =	ssyncset.done $0x0  }
0x4b: {  	s20 =	rddreg [dreg:$0xc];
	[sflag:s11] =	ssyncadd.s32 $0xFFFFC000  }
0x4c: {  	[hbm4b:s20+s4] =	stream.linear.scatter [tilespmem:s6], [sflag:$0x9], $0x4000, $0x38;
	[tilespmem:$0x1BA80] =	vst v63  }
0x4d: {  	s21 =	simm.s32 $0x2380  }
0x4e: {  	[tilespmem:s12], [sflag:$0x6] =	stream.indirect.gather [hbm4b:s0+s31], $0x80, s21, s31, $0xb8;
	[tilespmem:$0x1BA80] =	vst v63  }
0x4f: {  	_ =	swait.ge [sflag:s13], $0x4000  }
0x50: {  	[sflag:s13] =	ssyncset.done $0x0  }
0x51: {  	s23 =	rddreg [dreg:$0x18];
	[sflag:s13] =	ssyncadd.s32 $0xFFFFC000  }
0x52: {  	[hbm4b:s23+s4] =	stream.linear.scatter [tilespmem:s8], [sflag:$0xA], $0x4000, $0x38;
	[tilespmem:$0x1BA80] =	vst v63  }
0x53: {  	_ =	swait.ge [sflag:s14], $0x4000  }
0x54: {  	[sflag:s14] =	ssyncset.done $0x0  }
0x55: {  	s22 =	simm.s32 $0x2400;
	[sflag:s14] =	ssyncadd.s32 $0xFFFFC000  }
0x56: {  	[tilespmem:s2], [sflag:$0x1] =	stream.indirect.gather [hbm4b:s0+s31], $0x80, s22, s31, $0xb8;
	[tilespmem:$0x1BA80] =	vst v63  }
0x57: {  	_ =	swait.ge [sflag:s15], $0x4000  }
0x58: {  	[sflag:s15] =	ssyncset.done $0x0  }
0x59: {  	s22 =	rddreg [dreg:$0x17];
	[sflag:s15] =	ssyncadd.s32 $0xFFFFC000  }
0x5a: {  	[hbm4b:s22+s4] =	stream.linear.scatter [tilespmem:s10], [sflag:$0xB], $0x4000, $0x38;
	[tilespmem:$0x1BA80] =	vst v63  }
0x5b: {  	_ =	swait.ge [sflag:s16], $0x4000  }
0x5c: {  	[sflag:s16] =	ssyncset.done $0x0  }
0x5d: {  	s24 =	simm.s32 $0x2480;
	[sflag:s16] =	ssyncadd.s32 $0xFFFFC000  }
0x5e: {  	[tilespmem:s5], [sflag:$0x2] =	stream.indirect.gather [hbm4b:s0+s31], $0x80, s24, s31, $0xb8;
	[tilespmem:$0x1BA80] =	vst v63  }
0x5f: {  	_ =	swait.ge [sflag:s17], $0x4000  }
0x60: {  	[sflag:s17] =	ssyncset.done $0x0  }
0x61: {  	s24 =	rddreg [dreg:$0x16];
	[sflag:s17] =	ssyncadd.s32 $0xFFFFC000  }
0x62: {  	[hbm4b:s24+s4] =	stream.linear.scatter [tilespmem:s12], [sflag:$0xC], $0x4000, $0x38;
	[tilespmem:$0x1BA80] =	vst v63  }
0x63: {  	_ =	swait.ge [sflag:s18], $0x4000  }
0x64: {  	[sflag:s18] =	ssyncset.done $0x0  }
0x65: {  	s25 =	simm.s32 $0x2500;
	[sflag:s18] =	ssyncadd.s32 $0xFFFFC000  }
0x66: {  	[tilespmem:s6], [sflag:$0x3] =	stream.indirect.gather [hbm4b:s0+s31], $0x80, s25, s31, $0xb8;
	[tilespmem:$0x1BA80] =	vst v63  }
0x67: {  	_ =	swait.ge [sflag:s7], $0x4000  }
0x68: {  	[sflag:s7] =	ssyncset.done $0x0  }
0x69: {  	s28 =	rddreg [dreg:$0x1b];
	[sflag:s7] =	ssyncadd.s32 $0xFFFFC000  }
0x6a: {  	[hbm4b:s28+s4] =	stream.linear.scatter [tilespmem:s2], [sflag:$0x7], $0x4000, $0x38;
	[tilespmem:$0x1BA80] =	vst v63  }
0x6b: {  	_ =	swait.ge [sflag:s19], $0x4000  }
0x6c: {  	[sflag:s19] =	ssyncset.done $0x0  }
0x6d: {  	s21 =	simm.s32 $0x2580;
	[sflag:s19] =	ssyncadd.s32 $0xFFFFC000  }
0x6e: {  	[tilespmem:s8], [sflag:$0x4] =	stream.indirect.gather [hbm4b:s0+s31], $0x80, s21, s31, $0xb8;
	[tilespmem:$0x1BA80] =	vst v63  }
0x6f: {  	_ =	swait.ge [sflag:s9], $0x4000  }
0x70: {  	[sflag:s9] =	ssyncset.done $0x0  }
0x71: {  	s21 =	rddreg [dreg:$0x1a];
	[sflag:s9] =	ssyncadd.s32 $0xFFFFC000  }
0x72: {  	[hbm4b:s21+s4] =	stream.linear.scatter [tilespmem:s5], [sflag:$0x8], $0x4000, $0x38;
	[tilespmem:$0x1BA80] =	vst v63  }
0x73: {  	_ =	swait.ge [sflag:s26], $0x4000  }
0x74: {  	[sflag:s26] =	ssyncset.done $0x0  }
0x75: {  	s25 =	simm.s32 $0x2600;
	[sflag:s26] =	ssyncadd.s32 $0xFFFFC000  }
0x76: {  	[tilespmem:s10], [sflag:$0x5] =	stream.indirect.gather [hbm4b:s0+s31], $0x80, s25, s31, $0xb8;
	[tilespmem:$0x1BA80] =	vst v63  }
0x77: {  	_ =	swait.ge [sflag:s11], $0x4000  }
0x78: {  	s30 =	simm.s32 $0xC00;
	[sflag:s11] =	ssyncset.done $0x0  }
0x79: {  	s3 =	sadd.s32 $0x3000, s28;
	s28 =	rddreg [dreg:$0x19];
	[sflag:s11] =	ssyncadd.s32 $0xFFFFC000  }
0x7a: {  	[hbm4b:s28+s4] =	stream.linear.scatter [tilespmem:s6], [sflag:$0x9], $0x4000, $0x38;
	[tilespmem:$0x1BA80] =	vst v63  }
0x7b: {  	s23 =	sadd.s32 $0x3000, s23;
	s22 =	sadd.s32 $0x3000, s22;
	_ =	swait.ge [sflag:s29], $0x4000  }
0x7c: {  	s24 =	sadd.s32 $0x3000, s24;
	s21 =	sadd.s32 $0x3000, s21;
	[sflag:s29] =	ssyncset.done $0x0  }
0x7d: {  	s25 =	simm.s32 $0x2680;
	s20 =	sadd.s32 $0x3000, s28;
	[sflag:s29] =	ssyncadd.s32 $0xFFFFC000  }
.LBB2_2:
0x7e: {  	[tilespmem:s12], [sflag:$0x6] =	stream.indirect.gather [hbm4b:s0+s31], $0x80, s25, s31, $0xb8;
	[tilespmem:$0x1BA80] =	vst v63  }
0x7f: {  	s25 =	smov.u32 s30  }
0x80: {  	p1 =	sne.s32 s30, $0x4800;
	s30 =	sadd.s32 $0xC00, s30;
	_ =	swait.ge [sflag:s13], $0x4000  }
0x81: {  	[sflag:s13] =	ssyncset.done $0x0  }
0x82: {  	[sflag:s13] =	ssyncadd.s32 $0xFFFFC000  }
0x83: {  	[hbm4b:s23+s4] =	stream.linear.scatter [tilespmem:s8], [sflag:$0xA], $0x4000, $0x38;
	[tilespmem:$0x1BA80] =	vst v63  }
0x84: {  	_ =	swait.ge [sflag:s14], $0x4000  }
0x85: {  	s25 =	sshra.s32 s25, $0x2;
	[sflag:s14] =	ssyncset.done $0x0  }
0x86: {  	s28 =	sadd.s32 $0x2400, s25;
	[sflag:s14] =	ssyncadd.s32 $0xFFFFC000  }
0x87: {  	[tilespmem:s2], [sflag:$0x1] =	stream.indirect.gather [hbm4b:s0+s31], $0x80, s28, s31, $0xb8;
	[tilespmem:$0x1BA80] =	vst v63  }
0x88: {  	_ =	swait.ge [sflag:s15], $0x4000  }
0x89: {  	[sflag:s15] =	ssyncset.done $0x0  }
0x8a: {  	[sflag:s15] =	ssyncadd.s32 $0xFFFFC000  }
0x8b: {  	[hbm4b:s22+s4] =	stream.linear.scatter [tilespmem:s10], [sflag:$0xB], $0x4000, $0x38;
	[tilespmem:$0x1BA80] =	vst v63  }
0x8c: {  	_ =	swait.ge [sflag:s16], $0x4000  }
0x8d: {  	[sflag:s16] =	ssyncset.done $0x0  }
0x8e: {  	s28 =	sadd.s32 $0x2480, s25;
	[sflag:s16] =	ssyncadd.s32 $0xFFFFC000  }
0x8f: {  	[tilespmem:s5], [sflag:$0x2] =	stream.indirect.gather [hbm4b:s0+s31], $0x80, s28, s31, $0xb8;
	[tilespmem:$0x1BA80] =	vst v63  }
0x90: {  	_ =	swait.ge [sflag:s17], $0x4000  }
0x91: {  	[sflag:s17] =	ssyncset.done $0x0  }
0x92: {  	[sflag:s17] =	ssyncadd.s32 $0xFFFFC000  }
0x93: {  	[hbm4b:s24+s4] =	stream.linear.scatter [tilespmem:s12], [sflag:$0xC], $0x4000, $0x38;
	[tilespmem:$0x1BA80] =	vst v63  }
0x94: {  	_ =	swait.ge [sflag:s18], $0x4000  }
0x95: {  	[sflag:s18] =	ssyncset.done $0x0  }
0x96: {  	s28 =	sadd.s32 $0x2500, s25;
	[sflag:s18] =	ssyncadd.s32 $0xFFFFC000  }
0x97: {  	[tilespmem:s6], [sflag:$0x3] =	stream.indirect.gather [hbm4b:s0+s31], $0x80, s28, s31, $0xb8;
	[tilespmem:$0x1BA80] =	vst v63  }
0x98: {  	_ =	swait.ge [sflag:s7], $0x4000  }
0x99: {  	[sflag:s7] =	ssyncset.done $0x0  }
0x9a: {  	[sflag:s7] =	ssyncadd.s32 $0xFFFFC000  }
0x9b: {  	[hbm4b:s3+s4] =	stream.linear.scatter [tilespmem:s2], [sflag:$0x7], $0x4000, $0x38;
	[tilespmem:$0x1BA80] =	vst v63  }
0x9c: {  	_ =	swait.ge [sflag:s19], $0x4000  }
0x9d: {  	[sflag:s19] =	ssyncset.done $0x0  }
0x9e: {  	s28 =	sadd.s32 $0x2580, s25;
	[sflag:s19] =	ssyncadd.s32 $0xFFFFC000  }
0x9f: {  	[tilespmem:s8], [sflag:$0x4] =	stream.indirect.gather [hbm4b:s0+s31], $0x80, s28, s31, $0xb8;
	[tilespmem:$0x1BA80] =	vst v63  }
0xa0: {  	_ =	swait.ge [sflag:s9], $0x4000  }
0xa1: {  	[sflag:s9] =	ssyncset.done $0x0  }
0xa2: {  	[sflag:s9] =	ssyncadd.s32 $0xFFFFC000  }
0xa3: {  	[hbm4b:s21+s4] =	stream.linear.scatter [tilespmem:s5], [sflag:$0x8], $0x4000, $0x38;
	[tilespmem:$0x1BA80] =	vst v63  }
0xa4: {  	_ =	swait.ge [sflag:s26], $0x4000  }
0xa5: {  	[sflag:s26] =	ssyncset.done $0x0  }
0xa6: {  	s28 =	sadd.s32 $0x2600, s25;
	[sflag:s26] =	ssyncadd.s32 $0xFFFFC000  }
0xa7: {  	[tilespmem:s10], [sflag:$0x5] =	stream.indirect.gather [hbm4b:s0+s31], $0x80, s28, s31, $0xb8;
	[tilespmem:$0x1BA80] =	vst v63  }
0xa8: {  	_ =	swait.ge [sflag:s11], $0x4000  }
0xa9: {  	[sflag:s11] =	ssyncset.done $0x0  }
.Ltmp0:
0xaa: {  	s3 =	sadd.s32 $0x3000, s3;
	[sflag:s11] =	ssyncadd.s32 $0xFFFFC000;
	(pc) =	sbr.rel @p1 .LBB2_2-.Ltmp0, $4  }
0xab: {  	[hbm4b:s20+s4] =	stream.linear.scatter [tilespmem:s6], [sflag:$0x9], $0x4000, $0x38;
	[tilespmem:$0x1BA80] =	vst v63  }
0xac: {  	s21 =	sadd.s32 $0x3000, s21;
	s20 =	sadd.s32 $0x3000, s20;
	_ =	swait.ge [sflag:s29], $0x4000  }
0xad: {  	s23 =	sadd.s32 $0x3000, s23;
	s22 =	sadd.s32 $0x3000, s22;
	[sflag:s29] =	ssyncset.done $0x0  }
0xae: {  	s24 =	sadd.s32 $0x3000, s24;
	s25 =	sadd.s32 $0x2680, s25;
	[sflag:s29] =	ssyncadd.s32 $0xFFFFC000  }
0xaf: {  	[tilespmem:s12], [sflag:$0x6] =	stream.indirect.gather [hbm4b:s0+s31], $0x80, s25, s31, $0xb8;
	[tilespmem:$0x1BA80] =	vst v63  }
0xb0: {  	_ =	swait.ge [sflag:s13], $0x4000  }
0xb1: {  	[sflag:s13] =	ssyncset.done $0x0  }
0xb2: {  	s3 =	rddreg [dreg:$0xd];
	[sflag:s13] =	ssyncadd.s32 $0xFFFFC000  }
0xb3: {  	[hbm4b:s3+s4] =	stream.linear.scatter [tilespmem:s8], [sflag:$0xA], $0x4000, $0x38;
	[tilespmem:$0x1BA80] =	vst v63  }
0xb4: {  	_ =	swait.ge [sflag:s14], $0x4000  }
0xb5: {  	[sflag:s14] =	ssyncset.done $0x0  }
0xb6: {  	s25 =	simm.s32 $0x3900;
	[sflag:s14] =	ssyncadd.s32 $0xFFFFC000  }
0xb7: {  	[tilespmem:s2], [sflag:$0x1] =	stream.indirect.gather [hbm4b:s0+s31], $0x80, s25, s31, $0xb8;
	[tilespmem:$0x1BA80] =	vst v63  }
0xb8: {  	_ =	swait.ge [sflag:s15], $0x4000  }
0xb9: {  	[sflag:s15] =	ssyncset.done $0x0  }
0xba: {  	s28 =	rddreg [dreg:$0xe];
	[sflag:s15] =	ssyncadd.s32 $0xFFFFC000  }
0xbb: {  	[hbm4b:s28+s4] =	stream.linear.scatter [tilespmem:s10], [sflag:$0xB], $0x4000, $0x38;
	[tilespmem:$0x1BA80] =	vst v63  }
0xbc: {  	_ =	swait.ge [sflag:s16], $0x4000  }
0xbd: {  	[sflag:s16] =	ssyncset.done $0x0  }
0xbe: {  	s30 =	simm.s32 $0x3980;
	[sflag:s16] =	ssyncadd.s32 $0xFFFFC000  }
0xbf: {  	[tilespmem:s5], [sflag:$0x2] =	stream.indirect.gather [hbm4b:s0+s31], $0x80, s30, s31, $0xb8;
	[tilespmem:$0x1BA80] =	vst v63  }
0xc0: {  	_ =	swait.ge [sflag:s17], $0x4000  }
0xc1: {  	[sflag:s17] =	ssyncset.done $0x0  }
0xc2: {  	s20 =	rddreg [dreg:$0xf];
	[sflag:s17] =	ssyncadd.s32 $0xFFFFC000  }
0xc3: {  	[hbm4b:s20+s4] =	stream.linear.scatter [tilespmem:s12], [sflag:$0xC], $0x4000, $0x38;
	[tilespmem:$0x1BA80] =	vst v63  }
0xc4: {  	_ =	swait.ge [sflag:s7], $0x4000  }
0xc5: {  	[sflag:s7] =	ssyncset.done $0x0  }
0xc6: {  	s21 =	rddreg [dreg:$0x10];
	[sflag:s7] =	ssyncadd.s32 $0xFFFFC000  }
0xc7: {  	[hbm4b:s21+s4] =	stream.linear.scatter [tilespmem:s2], [sflag:$0x7], $0x4000, $0x38;
	[tilespmem:$0x1BA80] =	vst v63  }
0xc8: {  	_ =	swait.ge [sflag:s9], $0x4000  }
0xc9: {  	[sflag:s9] =	ssyncset.done $0x0  }
0xca: {  	s22 =	rddreg [dreg:$0x11];
	[sflag:s9] =	ssyncadd.s32 $0xFFFFC000  }
0xcb: {  	[hbm4b:s22+s4] =	stream.linear.scatter [tilespmem:s5], [sflag:$0x8], $0x4000, $0x38;
	[tilespmem:$0x1BA80] =	vst v63  }
0xcc: {  	_ =	swait.ge [sflag:s18], $0x4000  }
0xcd: {  	[sflag:s18] =	ssyncset.done $0x0  }
0xce: {  	[sflag:s18] =	ssyncadd.s32 $0xFFFFC000  }
0xcf: {  	_ =	swait.ge [sflag:s19], $0x4000  }
0xd0: {  	[sflag:s19] =	ssyncset.done $0x0  }
0xd1: {  	[sflag:s19] =	ssyncadd.s32 $0xFFFFC000  }
0xd2: {  	_ =	swait.ge [sflag:s26], $0x4000  }
0xd3: {  	[sflag:s26] =	ssyncset.done $0x0  }
0xd4: {  	[sflag:s26] =	ssyncadd.s32 $0xFFFFC000  }
0xd5: {  	_ =	swait.ge [sflag:s29], $0x4000  }
0xd6: {  	[sflag:s29] =	ssyncset.done $0x0  }
0xd7: {  	[sflag:s29] =	ssyncadd.s32 $0xFFFFC000  }
0xd8: {  	_ =	swait.ge [sflag:s14], $0x4000  }
0xd9: {  	[sflag:s14] =	ssyncset.done $0x0  }
0xda: {  	[sflag:s14] =	ssyncadd.s32 $0xFFFFC000  }
0xdb: {  	_ =	swait.ge [sflag:s16], $0x4000  }
0xdc: {  	s3 =	simm.s32 @!p0 $0x80;
	[sflag:s16] =	ssyncset.done $0x0  }
0xdd: {  	s20 =	simm.s32 @!p0 $0x3A00;
	s21 =	simm.s32 @!p0 $0x3A80;
	[sflag:s16] =	ssyncadd.s32 $0xFFFFC000  }
0xde: {  	[tilespmem:s21], [sflag:$0x1] =	stream.indirect.gather @!p0 [hbm4b:s0+s3], $0x80, s20, s3, $0xb8;
	[tilespmem:$0x1BA80] =	vst v63  }
0xdf: {  	s3 =	simm.s32 @!p0 $0x1  }
0xe0: {  	_ =	swait.ge @!p0 [sflag:s3], $0x4000  }
0xe1: {  	[sflag:s3] =	ssyncset.done @!p0 $0x0  }
0xe2: {  	s20 =	rddreg [dreg:$0x12];
	[sflag:s3] =	ssyncadd.s32 @!p0 $0xFFFFC000;
	s3 =	simm.s32 @!p0 $0x0  }
0xe3: {  	[hbm4b:s20+s3] =	stream.linear.scatter @!p0 [tilespmem:s21], [sflag:$0x10], $0x4000, $0x38;
	[tilespmem:$0x1BA80] =	vst v63  }
0xe4: {  	s3 =	simm.s32 @!p0 $0x10  }
0xe5: {  	_ =	swait.ge @!p0 [sflag:s3], $0x4000  }
0xe6: {  	[sflag:s3] =	ssyncset.done @!p0 $0x0  }
0xe7: {  	s23 =	simm.s32 $0xE;
	[sflag:s3] =	ssyncadd.s32 @!p0 $0xFFFFC000  }
0xe8: {  	_ =	swait.ge [sflag:s23], $0x1000  }
0xe9: {  	s21 =	simm.s32 $0x10;
	[sflag:s23] =	ssyncset.done $0x0  }
0xea: {  	s24 =	rddreg [dreg:$0x13];
	[sflag:s23] =	ssyncadd.s32 $0xFFFFF000;
	s23 =	simm.s32 $0x100  }
0xeb: {  	[hbm4b:s24+s4] =	stream.linear.scatter [tilespmem:s23], [sflag:$0x10], $0x1000, $0x38;
	[tilespmem:$0x1BA80] =	vst v63  }
0xec: {  	_ =	swait.ge [sflag:s21], $0x1000  }
0xed: {  	[sflag:s21] =	ssyncset.done $0x0  }
0xee: {  	s25 =	simm.s32 $0xF;
	[sflag:s21] =	ssyncadd.s32 $0xFFFFF000  }
0xef: {  	_ =	swait.ge [sflag:s25], $0x1000  }
0xf0: {  	[sflag:s25] =	ssyncset.done $0x0  }
0xf1: {  	s24 =	simm.s32 $0x1100;
	s28 =	rddreg [dreg:$0x14];
	[sflag:s25] =	ssyncadd.s32 $0xFFFFF000  }
0xf2: {  	[hbm4b:s28+s4] =	stream.linear.scatter [tilespmem:s24], [sflag:$0x10], $0x1000, $0x38;
	[tilespmem:$0x1BA80] =	vst v63  }
0xf3: {  	_ =	swait.ge [sflag:s21], $0x1000  }
0xf4: {  	s1 =	sadd.s32 $0x1, s1;
	s30 =	rddreg [dreg:$0x15]  }
0xf5: {  	p1 =	sne.s32 s1, s30  }
.Ltmp1:
0xf6: {  	_ = 	snop;
	(pc) =	sbr.rel @p1 .LBB2_1-.Ltmp1, $3  }
0xf7: {  	_ =	sdelay $0x1  }
0xf8: {  	[sflag:s21] =	ssyncset.done $0x0  }
0xf9: {  	[sflag:s21] =	ssyncadd.s32 $0xFFFFF000  }
0xfa: {  	_ =	sfence.sel $0x180000  }
0xfb: {  	[bflag:$0x0] =	sbarrier.arrive $0xFFFF  }
0xfc: {  	_ =	strace $0x90000047  }
0xfd: {  	s0 =	stileid.u32;
	[bflag:$0x2] =	sbarrier.arrive $0xFFFF  }
0xfe: {  	p0 =	sne.s32 s0, $0x0;
	s0 =	rddreg [dreg:$0x6]  }
0xff: {  	s0 =	sadd.s32 @!p0 $0x100000, s0  }
0x100: {  	[sflag:s0] =	ssyncadd.tile.s32 @!p0 $0x1;
	_ =	shalt  }
.Lfunc_end2:
_tile_overlayer_lowered:
.L_overlay_start_2:
0x101: {  	(tag) =	ssettag $0x2  }
0x102: {  	s0 =	rddreg [dreg:$0x0];
	s2 =	stileid.u32  }
0x103: {  	s1 =	rddreg [dreg:$0x1];
	p0 =	sne.s32 s2, $0x0  }
0x104: {  	s3 =	rddreg [dreg:$0x2];
	[bflag:$0x3] =	sbarrier.arrive $0xFFFF;
	s2 =	simm.s32 @!p0 $0x1C10  }
0x105: {  	[timem:s3], [sflag:s2] =	dma.local @!p0 [hbm:s0], s1  }
0x106: {  	s0 =	simm.s32 @!p0 $0x10  }
0x107: {  	_ =	swait.ge @!p0 [sflag:s0], s1  }
0x108: {  	s1 =	ssub.s32 @!p0 $0x0, s1;
	[sflag:s0] =	ssyncset.done @!p0 $0x0  }
0x109: {  	[sflag:s0] =	ssyncadd.s32 @!p0 s1  }
0x10a: {  	[bflag:$0x3] =	sbarrier.arrive $0xFFFF  }
0x10b: {  	_ =	shalt  }

</sc_bundles>
